<compile_context>
chip_gen: v7x
topology: tpu7x:2x2x1
jax: 0.10.2.dev20260603
libtpu: 0.0.44.dev20260713+nightly
codegen_flags: <defaults>
</compile_context>

<pallas_src>
import functools

import jax
import jax.numpy as jnp
from jax import lax
from jax.experimental import pallas as pl
from jax.experimental.pallas import tpu as pltpu
from jax.experimental.pallas import tpu_sc as plsc

NC = 2
NS = 16
LANES = 16
RB = 16


def _fuse_slice_sc(inp, starts, S, B, L, total, rows_total, per_b, n_it):
    mesh = plsc.VectorSubcoreMesh(
        core_axis_name="c", subcore_axis_name="s",
        num_cores=NC, num_subcores=NS)

    @functools.partial(
        pl.kernel,
        out_type=jax.ShapeDtypeStruct((rows_total, L), jnp.float32),
        mesh=mesh,
        scratch_types=(
            [pltpu.VMEM((S + LANES,), jnp.int32)]
            + [pltpu.VMEM_SHARED((NS, 2, RB, total), jnp.float32)]
            + [pltpu.SemaphoreType.DMA] * 4
        ),
    )
    def k(inp_hbm, starts_hbm, out_hbm, starts_v, shared, g0, g1, s0, s1):
        sid = lax.axis_index("s")
        bufs = (shared.at[sid, 0], shared.at[sid, 1])
        gsems, ssems = (g0, g1), (s0, s1)
        wid = lax.axis_index("s") * NC + lax.axis_index("c")
        pltpu.sync_copy(starts_hbm, starts_v.at[pl.ds(0, S)])
        sts = [pl.multiple_of(starts_v[pl.ds(s, LANES)][0], L) for s in range(S)]
        base = wid * per_b

        def start_gather(i, buf, gsem):
            b0 = pl.multiple_of(base + i * RB, RB)
            pltpu.async_copy(inp_hbm.at[pl.ds(b0, RB)], buf, gsem)

        def wait_gather(buf, gsem):
            pltpu.make_async_copy(inp_hbm.at[pl.ds(0, RB)], buf, gsem).wait()

        def wait_scatters(ssem):
            pltpu.make_async_copy(
                out_hbm.at[pl.ds(0, RB * S)], out_hbm.at[pl.ds(0, RB * S)],
                ssem).wait()

        start_gather(0, bufs[0], gsems[0])
        start_gather(1, bufs[1], gsems[1])

        def phase(i, cur):
            buf, gsem, ssem = bufs[cur], gsems[cur], ssems[cur]
            b0 = pl.multiple_of(base + i * RB, RB)
            wait_gather(buf, gsem)
            for s in range(S):
                pltpu.async_copy(
                    buf.at[:, pl.ds(sts[s], L)],
                    out_hbm.at[pl.ds(s * B + b0, RB)], ssem)
            h = i + 1
            oth = 1 - cur

            @pl.when(jnp.logical_and(h >= 2, h < n_it))
            def _():
                wait_scatters(ssems[oth])
                start_gather(h, bufs[oth], gsems[oth])

        def body(j, carry):
            phase(j * 2, 0)
            phase(j * 2 + 1, 1)
            return carry

        lax.fori_loop(0, n_it // 2, body, 0)
        wait_scatters(ssems[0])
        wait_scatters(ssems[1])

    return k(inp, starts)


def kernel(input_tensor, slices_index, slice_len):
    B, total = input_tensor.shape
    S = slices_index.shape[0]
    L = total // S
    zero_offset = jnp.asarray(slice_len, jnp.int32) - jnp.int32(L)
    starts = slices_index.astype(jnp.int32) + zero_offset

    rows_total = S * B
    per_b = B // (NC * NS)
    n_it = per_b // RB
    assert per_b * NC * NS == B and n_it * RB == per_b and n_it % 2 == 0

    out = _fuse_slice_sc(input_tensor, starts, S, B, L, total, rows_total,
                         per_b, n_it)
    return out.reshape(S, B, L)

# --- scband reference (transcript-rebuilt; emitter-appended) ---
"""Pipeline reference for scband-fuse-slice-module-25314537242671 (READ-ONLY COPY).

The authoritative reference and input builder live on the scoring server;
editing this copy changes nothing except your own understanding.
"""

import jax, jax.numpy as jnp
import numpy as np

BATCH = 16384
NUM_SLICES = 26
EMBED = 128
TOTAL = NUM_SLICES * EMBED  # 3328


def setup_inputs(seed: int = 0) -> dict:
    key = jax.random.key(seed)
    k1 = jax.random.fold_in(key, 1)
    input_tensor = jax.random.normal(k1, (BATCH, TOTAL), dtype=jnp.float32)
    slices_index = (jnp.arange(NUM_SLICES, dtype=jnp.int32) * EMBED).astype(jnp.int32)
    return {"input_tensor": input_tensor, "slices_index": slices_index, "slice_len": EMBED}


def reference(input_tensor, slices_index, slice_len):
    # Faithful translation of FuseSliceModule.forward for the 2D case:
    # for each start s in slices_index, take input_tensor[:, s:s+slice_len],
    # producing output of shape [len(slices_index), B, slice_len].
    slice_len_static = EMBED
    zero_offset = jnp.asarray(slice_len, dtype=jnp.int32) - jnp.int32(slice_len_static)
    col_idx = slices_index.astype(jnp.int32)[:, None] + (jnp.arange(slice_len_static, dtype=jnp.int32) + zero_offset)[None, :]  # [S, L]
    gathered = jnp.take(input_tensor, col_idx, axis=1)  # [B, S, L]
    output = jnp.transpose(gathered, (1, 0, 2))  # [S, B, L]
    return output

if __name__ == "__main__":
    import jax
    _d = setup_inputs()
    print(jax.jit(kernel)(*tuple(_d.values())))

</pallas_src>

<mosaic_0001>
#map = affine_map<(d0, d1) -> (0, 0)>
#map1 = affine_map<(d0, d1) -> (0)>
module attributes {stable_mosaic.version = 14 : i64} {
  func.func @k(%arg0: i32, %arg1: i32, %arg2: memref<16384x3328xf32, #tpu.memory_space<hbm>>, %arg3: memref<26xi32, #tpu.memory_space<hbm>>, %arg4: memref<425984x128xf32, #tpu.memory_space<hbm>>, %arg5: memref<42xi32, #tpu.memory_space<vmem>>, %arg6: memref<16x2x16x3328xf32, #tpu.memory_space<vmem_shared>>, %arg7: memref<!tpu.dma_semaphore, #tpu.memory_space<semaphore_mem>>, %arg8: memref<!tpu.dma_semaphore, #tpu.memory_space<semaphore_mem>>, %arg9: memref<!tpu.dma_semaphore, #tpu.memory_space<semaphore_mem>>, %arg10: memref<!tpu.dma_semaphore, #tpu.memory_space<semaphore_mem>>) attributes {dimension_semantics = [#tpu.dimension_semantics<core_parallel>, #tpu.dimension_semantics<subcore_parallel>], iteration_bounds = array<i64: 2, 16>, scalar_prefetch = 0 : i64, scratch_operands = 6 : i64, tpu.core_type = #tpu.core_type<sc_vector_subcore>, window_params = [{transform_indices = #map}, {transform_indices = #map1}, {transform_indices = #map}]} {
    %mul3A = arith.constant 2 : i32
    %mul3A_0 = arith.muli %arg1, %mul3A : i32
    %add3A = arith.addi %mul3A_0, %arg0 : i32
    "tpu.region"() ({
      %run_scoped3A = tpu.sem_alloc : memref<!tpu.dma_semaphore, #tpu.memory_space<semaphore_mem>>
      %dma_start3A_192 = arith.constant 0 : i32
      %dma_start3A_193 = tpu.memref_slice %arg5[%dma_start3A_192] : memref<42xi32, #tpu.memory_space<vmem>> -> memref<26xi32, #tpu.memory_space<vmem>>
      %dma_start3A_194 = arith.constant 0 : i32
      %dma_start3A_195 = tpu.memref_slice %arg5[%dma_start3A_194] : memref<42xi32, #tpu.memory_space<vmem>> -> memref<26xi32, #tpu.memory_space<vmem>>
      tpu.enqueue_dma source(%arg3 : memref<26xi32, #tpu.memory_space<hbm>>) target(%dma_start3A_195 : memref<26xi32, #tpu.memory_space<vmem>>) target_semaphore(%run_scoped3A : memref<!tpu.dma_semaphore, #tpu.memory_space<semaphore_mem>>)
      %dma_wait3A_196 = arith.constant 0 : i32
      %dma_wait3A_197 = tpu.memref_slice %arg5[%dma_wait3A_196] : memref<42xi32, #tpu.memory_space<vmem>> -> memref<26xi32, #tpu.memory_space<vmem>>
      %dma_wait3A_198 = arith.constant 0 : i32
      %dma_wait3A_199 = tpu.memref_slice %arg5[%dma_wait3A_198] : memref<42xi32, #tpu.memory_space<vmem>> -> memref<26xi32, #tpu.memory_space<vmem>>
      tpu.wait_dma2 semaphore(%run_scoped3A : memref<!tpu.dma_semaphore, #tpu.memory_space<semaphore_mem>>) src(%arg3 : memref<26xi32, #tpu.memory_space<hbm>>) dst(%dma_wait3A_199 : memref<26xi32, #tpu.memory_space<vmem>>)
      tpu.yield
    }) : () -> ()
    %get3A = arith.constant 0 : index
    %get3A_1 = tpu.vector_load %arg5[%get3A] {strides = array<i32>} : memref<42xi32, #tpu.memory_space<vmem>>, vector<16xi32>,
    %get3A_2 = vector.shape_cast %get3A_1 : vector<16xi32> to vector<16xi32>
    %slice3A = vector.extract_strided_slice %get3A_2 {offsets = [0], sizes = [1], strides = [1]} : vector<16xi32> to vector<1xi32>
    %squeeze3A = vector.extract %slice3A[0] : i32 from vector<1xi32>
    %multiple_of3A = tpu.assume_multiple %squeeze3A, 128 : i32
    %get3A_3 = arith.constant 1 : index
    %get3A_4 = tpu.vector_load %arg5[%get3A_3] {strides = array<i32>} : memref<42xi32, #tpu.memory_space<vmem>>, vector<16xi32>,
    %get3A_5 = vector.shape_cast %get3A_4 : vector<16xi32> to vector<16xi32>
    %slice3A_6 = vector.extract_strided_slice %get3A_5 {offsets = [0], sizes = [1], strides = [1]} : vector<16xi32> to vector<1xi32>
    %squeeze3A_7 = vector.extract %slice3A_6[0] : i32 from vector<1xi32>
    %multiple_of3A_8 = tpu.assume_multiple %squeeze3A_7, 128 : i32
    %get3A_9 = arith.constant 2 : index
    %get3A_10 = tpu.vector_load %arg5[%get3A_9] {strides = array<i32>} : memref<42xi32, #tpu.memory_space<vmem>>, vector<16xi32>,
    %get3A_11 = vector.shape_cast %get3A_10 : vector<16xi32> to vector<16xi32>
    %slice3A_12 = vector.extract_strided_slice %get3A_11 {offsets = [0], sizes = [1], strides = [1]} : vector<16xi32> to vector<1xi32>
    %squeeze3A_13 = vector.extract %slice3A_12[0] : i32 from vector<1xi32>
    %multiple_of3A_14 = tpu.assume_multiple %squeeze3A_13, 128 : i32
    %get3A_15 = arith.constant 3 : index
    %get3A_16 = tpu.vector_load %arg5[%get3A_15] {strides = array<i32>} : memref<42xi32, #tpu.memory_space<vmem>>, vector<16xi32>,
    %get3A_17 = vector.shape_cast %get3A_16 : vector<16xi32> to vector<16xi32>
    %slice3A_18 = vector.extract_strided_slice %get3A_17 {offsets = [0], sizes = [1], strides = [1]} : vector<16xi32> to vector<1xi32>
    %squeeze3A_19 = vector.extract %slice3A_18[0] : i32 from vector<1xi32>
    %multiple_of3A_20 = tpu.assume_multiple %squeeze3A_19, 128 : i32
    %get3A_21 = arith.constant 4 : index
    %get3A_22 = tpu.vector_load %arg5[%get3A_21] {strides = array<i32>} : memref<42xi32, #tpu.memory_space<vmem>>, vector<16xi32>,
    %get3A_23 = vector.shape_cast %get3A_22 : vector<16xi32> to vector<16xi32>
    %slice3A_24 = vector.extract_strided_slice %get3A_23 {offsets = [0], sizes = [1], strides = [1]} : vector<16xi32> to vector<1xi32>
    %squeeze3A_25 = vector.extract %slice3A_24[0] : i32 from vector<1xi32>
    %multiple_of3A_26 = tpu.assume_multiple %squeeze3A_25, 128 : i32
    %get3A_27 = arith.constant 5 : index
    %get3A_28 = tpu.vector_load %arg5[%get3A_27] {strides = array<i32>} : memref<42xi32, #tpu.memory_space<vmem>>, vector<16xi32>,
    %get3A_29 = vector.shape_cast %get3A_28 : vector<16xi32> to vector<16xi32>
    %slice3A_30 = vector.extract_strided_slice %get3A_29 {offsets = [0], sizes = [1], strides = [1]} : vector<16xi32> to vector<1xi32>
    %squeeze3A_31 = vector.extract %slice3A_30[0] : i32 from vector<1xi32>
    %multiple_of3A_32 = tpu.assume_multiple %squeeze3A_31, 128 : i32
    %get3A_33 = arith.constant 6 : index
    %get3A_34 = tpu.vector_load %arg5[%get3A_33] {strides = array<i32>} : memref<42xi32, #tpu.memory_space<vmem>>, vector<16xi32>,
    %get3A_35 = vector.shape_cast %get3A_34 : vector<16xi32> to vector<16xi32>
    %slice3A_36 = vector.extract_strided_slice %get3A_35 {offsets = [0], sizes = [1], strides = [1]} : vector<16xi32> to vector<1xi32>
    %squeeze3A_37 = vector.extract %slice3A_36[0] : i32 from vector<1xi32>
    %multiple_of3A_38 = tpu.assume_multiple %squeeze3A_37, 128 : i32
    %get3A_39 = arith.constant 7 : index
    %get3A_40 = tpu.vector_load %arg5[%get3A_39] {strides = array<i32>} : memref<42xi32, #tpu.memory_space<vmem>>, vector<16xi32>,
    %get3A_41 = vector.shape_cast %get3A_40 : vector<16xi32> to vector<16xi32>
    %slice3A_42 = vector.extract_strided_slice %get3A_41 {offsets = [0], sizes = [1], strides = [1]} : vector<16xi32> to vector<1xi32>
    %squeeze3A_43 = vector.extract %slice3A_42[0] : i32 from vector<1xi32>
    %multiple_of3A_44 = tpu.assume_multiple %squeeze3A_43, 128 : i32
    %get3A_45 = arith.constant 8 : index
    %get3A_46 = tpu.vector_load %arg5[%get3A_45] {strides = array<i32>} : memref<42xi32, #tpu.memory_space<vmem>>, vector<16xi32>,
    %get3A_47 = vector.shape_cast %get3A_46 : vector<16xi32> to vector<16xi32>
    %slice3A_48 = vector.extract_strided_slice %get3A_47 {offsets = [0], sizes = [1], strides = [1]} : vector<16xi32> to vector<1xi32>
    %squeeze3A_49 = vector.extract %slice3A_48[0] : i32 from vector<1xi32>
    %multiple_of3A_50 = tpu.assume_multiple %squeeze3A_49, 128 : i32
    %get3A_51 = arith.constant 9 : index
    %get3A_52 = tpu.vector_load %arg5[%get3A_51] {strides = array<i32>} : memref<42xi32, #tpu.memory_space<vmem>>, vector<16xi32>,
    %get3A_53 = vector.shape_cast %get3A_52 : vector<16xi32> to vector<16xi32>
    %slice3A_54 = vector.extract_strided_slice %get3A_53 {offsets = [0], sizes = [1], strides = [1]} : vector<16xi32> to vector<1xi32>
    %squeeze3A_55 = vector.extract %slice3A_54[0] : i32 from vector<1xi32>
    %multiple_of3A_56 = tpu.assume_multiple %squeeze3A_55, 128 : i32
    %get3A_57 = arith.constant 10 : index
    %get3A_58 = tpu.vector_load %arg5[%get3A_57] {strides = array<i32>} : memref<42xi32, #tpu.memory_space<vmem>>, vector<16xi32>,
    %get3A_59 = vector.shape_cast %get3A_58 : vector<16xi32> to vector<16xi32>
    %slice3A_60 = vector.extract_strided_slice %get3A_59 {offsets = [0], sizes = [1], strides = [1]} : vector<16xi32> to vector<1xi32>
    %squeeze3A_61 = vector.extract %slice3A_60[0] : i32 from vector<1xi32>
    %multiple_of3A_62 = tpu.assume_multiple %squeeze3A_61, 128 : i32
    %get3A_63 = arith.constant 11 : index
    %get3A_64 = tpu.vector_load %arg5[%get3A_63] {strides = array<i32>} : memref<42xi32, #tpu.memory_space<vmem>>, vector<16xi32>,
    %get3A_65 = vector.shape_cast %get3A_64 : vector<16xi32> to vector<16xi32>
    %slice3A_66 = vector.extract_strided_slice %get3A_65 {offsets = [0], sizes = [1], strides = [1]} : vector<16xi32> to vector<1xi32>
    %squeeze3A_67 = vector.extract %slice3A_66[0] : i32 from vector<1xi32>
    %multiple_of3A_68 = tpu.assume_multiple %squeeze3A_67, 128 : i32
    %get3A_69 = arith.constant 12 : index
    %get3A_70 = tpu.vector_load %arg5[%get3A_69] {strides = array<i32>} : memref<42xi32, #tpu.memory_space<vmem>>, vector<16xi32>,
    %get3A_71 = vector.shape_cast %get3A_70 : vector<16xi32> to vector<16xi32>
    %slice3A_72 = vector.extract_strided_slice %get3A_71 {offsets = [0], sizes = [1], strides = [1]} : vector<16xi32> to vector<1xi32>
    %squeeze3A_73 = vector.extract %slice3A_72[0] : i32 from vector<1xi32>
    %multiple_of3A_74 = tpu.assume_multiple %squeeze3A_73, 128 : i32
    %get3A_75 = arith.constant 13 : index
    %get3A_76 = tpu.vector_load %arg5[%get3A_75] {strides = array<i32>} : memref<42xi32, #tpu.memory_space<vmem>>, vector<16xi32>,
    %get3A_77 = vector.shape_cast %get3A_76 : vector<16xi32> to vector<16xi32>
    %slice3A_78 = vector.extract_strided_slice %get3A_77 {offsets = [0], sizes = [1], strides = [1]} : vector<16xi32> to vector<1xi32>
    %squeeze3A_79 = vector.extract %slice3A_78[0] : i32 from vector<1xi32>
    %multiple_of3A_80 = tpu.assume_multiple %squeeze3A_79, 128 : i32
    %get3A_81 = arith.constant 14 : index
    %get3A_82 = tpu.vector_load %arg5[%get3A_81] {strides = array<i32>} : memref<42xi32, #tpu.memory_space<vmem>>, vector<16xi32>,
    %get3A_83 = vector.shape_cast %get3A_82 : vector<16xi32> to vector<16xi32>
    %slice3A_84 = vector.extract_strided_slice %get3A_83 {offsets = [0], sizes = [1], strides = [1]} : vector<16xi32> to vector<1xi32>
    %squeeze3A_85 = vector.extract %slice3A_84[0] : i32 from vector<1xi32>
    %multiple_of3A_86 = tpu.assume_multiple %squeeze3A_85, 128 : i32
    %get3A_87 = arith.constant 15 : index
    %get3A_88 = tpu.vector_load %arg5[%get3A_87] {strides = array<i32>} : memref<42xi32, #tpu.memory_space<vmem>>, vector<16xi32>,
    %get3A_89 = vector.shape_cast %get3A_88 : vector<16xi32> to vector<16xi32>
    %slice3A_90 = vector.extract_strided_slice %get3A_89 {offsets = [0], sizes = [1], strides = [1]} : vector<16xi32> to vector<1xi32>
    %squeeze3A_91 = vector.extract %slice3A_90[0] : i32 from vector<1xi32>
    %multiple_of3A_92 = tpu.assume_multiple %squeeze3A_91, 128 : i32
    %get3A_93 = arith.constant 16 : index
    %get3A_94 = tpu.vector_load %arg5[%get3A_93] {strides = array<i32>} : memref<42xi32, #tpu.memory_space<vmem>>, vector<16xi32>,
    %get3A_95 = vector.shape_cast %get3A_94 : vector<16xi32> to vector<16xi32>
    %slice3A_96 = vector.extract_strided_slice %get3A_95 {offsets = [0], sizes = [1], strides = [1]} : vector<16xi32> to vector<1xi32>
    %squeeze3A_97 = vector.extract %slice3A_96[0] : i32 from vector<1xi32>
    %multiple_of3A_98 = tpu.assume_multiple %squeeze3A_97, 128 : i32
    %get3A_99 = arith.constant 17 : index
    %get3A_100 = tpu.vector_load %arg5[%get3A_99] {strides = array<i32>} : memref<42xi32, #tpu.memory_space<vmem>>, vector<16xi32>,
    %get3A_101 = vector.shape_cast %get3A_100 : vector<16xi32> to vector<16xi32>
    %slice3A_102 = vector.extract_strided_slice %get3A_101 {offsets = [0], sizes = [1], strides = [1]} : vector<16xi32> to vector<1xi32>
    %squeeze3A_103 = vector.extract %slice3A_102[0] : i32 from vector<1xi32>
    %multiple_of3A_104 = tpu.assume_multiple %squeeze3A_103, 128 : i32
    %get3A_105 = arith.constant 18 : index
    %get3A_106 = tpu.vector_load %arg5[%get3A_105] {strides = array<i32>} : memref<42xi32, #tpu.memory_space<vmem>>, vector<16xi32>,
    %get3A_107 = vector.shape_cast %get3A_106 : vector<16xi32> to vector<16xi32>
    %slice3A_108 = vector.extract_strided_slice %get3A_107 {offsets = [0], sizes = [1], strides = [1]} : vector<16xi32> to vector<1xi32>
    %squeeze3A_109 = vector.extract %slice3A_108[0] : i32 from vector<1xi32>
    %multiple_of3A_110 = tpu.assume_multiple %squeeze3A_109, 128 : i32
    %get3A_111 = arith.constant 19 : index
    %get3A_112 = tpu.vector_load %arg5[%get3A_111] {strides = array<i32>} : memref<42xi32, #tpu.memory_space<vmem>>, vector<16xi32>,
    %get3A_113 = vector.shape_cast %get3A_112 : vector<16xi32> to vector<16xi32>
    %slice3A_114 = vector.extract_strided_slice %get3A_113 {offsets = [0], sizes = [1], strides = [1]} : vector<16xi32> to vector<1xi32>
    %squeeze3A_115 = vector.extract %slice3A_114[0] : i32 from vector<1xi32>
    %multiple_of3A_116 = tpu.assume_multiple %squeeze3A_115, 128 : i32
    %get3A_117 = arith.constant 20 : index
    %get3A_118 = tpu.vector_load %arg5[%get3A_117] {strides = array<i32>} : memref<42xi32, #tpu.memory_space<vmem>>, vector<16xi32>,
    %get3A_119 = vector.shape_cast %get3A_118 : vector<16xi32> to vector<16xi32>
    %slice3A_120 = vector.extract_strided_slice %get3A_119 {offsets = [0], sizes = [1], strides = [1]} : vector<16xi32> to vector<1xi32>
    %squeeze3A_121 = vector.extract %slice3A_120[0] : i32 from vector<1xi32>
    %multiple_of3A_122 = tpu.assume_multiple %squeeze3A_121, 128 : i32
    %get3A_123 = arith.constant 21 : index
    %get3A_124 = tpu.vector_load %arg5[%get3A_123] {strides = array<i32>} : memref<42xi32, #tpu.memory_space<vmem>>, vector<16xi32>,
    %get3A_125 = vector.shape_cast %get3A_124 : vector<16xi32> to vector<16xi32>
    %slice3A_126 = vector.extract_strided_slice %get3A_125 {offsets = [0], sizes = [1], strides = [1]} : vector<16xi32> to vector<1xi32>
    %squeeze3A_127 = vector.extract %slice3A_126[0] : i32 from vector<1xi32>
    %multiple_of3A_128 = tpu.assume_multiple %squeeze3A_127, 128 : i32
    %get3A_129 = arith.constant 22 : index
    %get3A_130 = tpu.vector_load %arg5[%get3A_129] {strides = array<i32>} : memref<42xi32, #tpu.memory_space<vmem>>, vector<16xi32>,
    %get3A_131 = vector.shape_cast %get3A_130 : vector<16xi32> to vector<16xi32>
    %slice3A_132 = vector.extract_strided_slice %get3A_131 {offsets = [0], sizes = [1], strides = [1]} : vector<16xi32> to vector<1xi32>
    %squeeze3A_133 = vector.extract %slice3A_132[0] : i32 from vector<1xi32>
    %multiple_of3A_134 = tpu.assume_multiple %squeeze3A_133, 128 : i32
    %get3A_135 = arith.constant 23 : index
    %get3A_136 = tpu.vector_load %arg5[%get3A_135] {strides = array<i32>} : memref<42xi32, #tpu.memory_space<vmem>>, vector<16xi32>,
    %get3A_137 = vector.shape_cast %get3A_136 : vector<16xi32> to vector<16xi32>
    %slice3A_138 = vector.extract_strided_slice %get3A_137 {offsets = [0], sizes = [1], strides = [1]} : vector<16xi32> to vector<1xi32>
    %squeeze3A_139 = vector.extract %slice3A_138[0] : i32 from vector<1xi32>
    %multiple_of3A_140 = tpu.assume_multiple %squeeze3A_139, 128 : i32
    %get3A_141 = arith.constant 24 : index
    %get3A_142 = tpu.vector_load %arg5[%get3A_141] {strides = array<i32>} : memref<42xi32, #tpu.memory_space<vmem>>, vector<16xi32>,
    %get3A_143 = vector.shape_cast %get3A_142 : vector<16xi32> to vector<16xi32>
    %slice3A_144 = vector.extract_strided_slice %get3A_143 {offsets = [0], sizes = [1], strides = [1]} : vector<16xi32> to vector<1xi32>
    %squeeze3A_145 = vector.extract %slice3A_144[0] : i32 from vector<1xi32>
    %multiple_of3A_146 = tpu.assume_multiple %squeeze3A_145, 128 : i32
    %get3A_147 = arith.constant 25 : index
    %get3A_148 = tpu.vector_load %arg5[%get3A_147] {strides = array<i32>} : memref<42xi32, #tpu.memory_space<vmem>>, vector<16xi32>,
    %get3A_149 = vector.shape_cast %get3A_148 : vector<16xi32> to vector<16xi32>
    %slice3A_150 = vector.extract_strided_slice %get3A_149 {offsets = [0], sizes = [1], strides = [1]} : vector<16xi32> to vector<1xi32>
    %squeeze3A_151 = vector.extract %slice3A_150[0] : i32 from vector<1xi32>
    %multiple_of3A_152 = tpu.assume_multiple %squeeze3A_151, 128 : i32
    %mul3A_153 = arith.constant 512 : i32
    %mul3A_154 = arith.muli %add3A, %mul3A_153 : i32
    %add3A_155 = arith.constant 0 : i32
    %add3A_156 = arith.addi %mul3A_154, %add3A_155 : i32
    %multiple_of3A_157 = tpu.assume_multiple %add3A_156, 16 : i32
    %dma_start3A = arith.constant 0 : i32
    %dma_start3A_158 = arith.constant 0 : i32
    %dma_start3A_159 = arith.constant 0 : i32
    %dma_start3A_160 = tpu.memref_slice %arg6[%arg1, %dma_start3A, %dma_start3A_158, %dma_start3A_159] : memref<16x2x16x3328xf32, #tpu.memory_space<vmem_shared>> -> memref<1x1x16x3328xf32, #tpu.memory_space<vmem_shared>>
    %dma_start3A_161 = tpu.memref_squeeze %dma_start3A_160 : memref<1x1x16x3328xf32, #tpu.memory_space<vmem_shared>> -> memref<16x3328xf32, #tpu.memory_space<vmem_shared>>
    %dma_start3A_162 = arith.constant 0 : i32
    %dma_start3A_163 = tpu.memref_slice %arg2[%multiple_of3A_157, %dma_start3A_162] : memref<16384x3328xf32, #tpu.memory_space<hbm>> -> memref<16x3328xf32, #tpu.memory_space<hbm>>
    tpu.enqueue_dma source(%dma_start3A_163 : memref<16x3328xf32, #tpu.memory_space<hbm>>) target(%dma_start3A_161 : memref<16x3328xf32, #tpu.memory_space<vmem_shared>>) target_semaphore(%arg7 : memref<!tpu.dma_semaphore, #tpu.memory_space<semaphore_mem>>)
    %add3A_164 = arith.constant 16 : i32
    %add3A_165 = arith.addi %mul3A_154, %add3A_164 : i32
    %multiple_of3A_166 = tpu.assume_multiple %add3A_165, 16 : i32
    %dma_start3A_167 = arith.constant 1 : i32
    %dma_start3A_168 = arith.constant 0 : i32
    %dma_start3A_169 = arith.constant 0 : i32
    %dma_start3A_170 = tpu.memref_slice %arg6[%arg1, %dma_start3A_167, %dma_start3A_168, %dma_start3A_169] : memref<16x2x16x3328xf32, #tpu.memory_space<vmem_shared>> -> memref<1x1x16x3328xf32, #tpu.memory_space<vmem_shared>>
    %dma_start3A_171 = tpu.memref_squeeze %dma_start3A_170 : memref<1x1x16x3328xf32, #tpu.memory_space<vmem_shared>> -> memref<16x3328xf32, #tpu.memory_space<vmem_shared>>
    %dma_start3A_172 = arith.constant 0 : i32
    %dma_start3A_173 = tpu.memref_slice %arg2[%multiple_of3A_166, %dma_start3A_172] : memref<16384x3328xf32, #tpu.memory_space<hbm>> -> memref<16x3328xf32, #tpu.memory_space<hbm>>
    tpu.enqueue_dma source(%dma_start3A_173 : memref<16x3328xf32, #tpu.memory_space<hbm>>) target(%dma_start3A_171 : memref<16x3328xf32, #tpu.memory_space<vmem_shared>>) target_semaphore(%arg8 : memref<!tpu.dma_semaphore, #tpu.memory_space<semaphore_mem>>)
    %scan3A = arith.constant 0 : i32
    %scan3A_174 = arith.constant 0 : i32
    %scan3A_175 = arith.constant 1 : i32
    %scan3A_176 = arith.constant 0 : i32
    %scan3A_177 = arith.constant 16 : i32
    %scan3A_178 = arith.addi %scan3A_176, %scan3A_177 : i32
    %scan3A_179 = arith.constant 1 : i32
    scf.for %scan3A_192 = %scan3A_176 to %scan3A_178 step %scan3A_179  : i32 {
      %mul3A_193 = arith.constant 2 : i32
      %mul3A_194 = arith.muli %scan3A_192, %mul3A_193 : i32
      %mul3A_195 = arith.constant 16 : i32
      %mul3A_196 = arith.muli %mul3A_194, %mul3A_195 : i32
      %add3A_197 = arith.addi %mul3A_154, %mul3A_196 : i32
      %multiple_of3A_198 = tpu.assume_multiple %add3A_197, 16 : i32
      %dma_wait3A_199 = arith.constant 0 : i32
      %dma_wait3A_200 = arith.constant 0 : i32
      %dma_wait3A_201 = tpu.memref_slice %arg6[%arg1, %scan3A_174, %dma_wait3A_199, %dma_wait3A_200] : memref<16x2x16x3328xf32, #tpu.memory_space<vmem_shared>> -> memref<1x1x16x3328xf32, #tpu.memory_space<vmem_shared>>
      %dma_wait3A_202 = tpu.memref_squeeze %dma_wait3A_201 : memref<1x1x16x3328xf32, #tpu.memory_space<vmem_shared>> -> memref<16x3328xf32, #tpu.memory_space<vmem_shared>>
      %dma_wait3A_203 = arith.constant 0 : i32
      %dma_wait3A_204 = arith.constant 0 : i32
      %dma_wait3A_205 = tpu.memref_slice %arg2[%dma_wait3A_203, %dma_wait3A_204] : memref<16384x3328xf32, #tpu.memory_space<hbm>> -> memref<16x3328xf32, #tpu.memory_space<hbm>>
      tpu.wait_dma2 semaphore(%arg7 : memref<!tpu.dma_semaphore, #tpu.memory_space<semaphore_mem>>) src(%dma_wait3A_205 : memref<16x3328xf32, #tpu.memory_space<hbm>>) dst(%dma_wait3A_202 : memref<16x3328xf32, #tpu.memory_space<vmem_shared>>)
      %add3A_206 = arith.constant 0 : i32
      %add3A_207 = arith.addi %add3A_206, %multiple_of3A_198 : i32
      %dma_start3A_208 = arith.constant 0 : i32
      %dma_start3A_209 = tpu.memref_slice %arg4[%add3A_207, %dma_start3A_208] : memref<425984x128xf32, #tpu.memory_space<hbm>> -> memref<16x128xf32, #tpu.memory_space<hbm>>
      %dma_start3A_210 = arith.constant 0 : i32
      %dma_start3A_211 = arith.constant 0 : i32
      %dma_start3A_212 = tpu.memref_slice %arg6[%arg1, %scan3A_174, %dma_start3A_210, %dma_start3A_211] : memref<16x2x16x3328xf32, #tpu.memory_space<vmem_shared>> -> memref<1x1x16x3328xf32, #tpu.memory_space<vmem_shared>>
      %dma_start3A_213 = tpu.memref_squeeze %dma_start3A_212 : memref<1x1x16x3328xf32, #tpu.memory_space<vmem_shared>> -> memref<16x3328xf32, #tpu.memory_space<vmem_shared>>
      %dma_start3A_214 = arith.constant 0 : i32
      %dma_start3A_215 = tpu.memref_slice %dma_start3A_213[%dma_start3A_214, %multiple_of3A] : memref<16x3328xf32, #tpu.memory_space<vmem_shared>> -> memref<16x128xf32, #tpu.memory_space<vmem_shared>>
      tpu.enqueue_dma source(%dma_start3A_215 : memref<16x128xf32, #tpu.memory_space<vmem_shared>>) target(%dma_start3A_209 : memref<16x128xf32, #tpu.memory_space<hbm>>) target_semaphore(%arg9 : memref<!tpu.dma_semaphore, #tpu.memory_space<semaphore_mem>>)
      %add3A_216 = arith.constant 16384 : i32
      %add3A_217 = arith.addi %add3A_216, %multiple_of3A_198 : i32
      %dma_start3A_218 = arith.constant 0 : i32
      %dma_start3A_219 = tpu.memref_slice %arg4[%add3A_217, %dma_start3A_218] : memref<425984x128xf32, #tpu.memory_space<hbm>> -> memref<16x128xf32, #tpu.memory_space<hbm>>
      %dma_start3A_220 = arith.constant 0 : i32
      %dma_start3A_221 = arith.constant 0 : i32
      %dma_start3A_222 = tpu.memref_slice %arg6[%arg1, %scan3A_174, %dma_start3A_220, %dma_start3A_221] : memref<16x2x16x3328xf32, #tpu.memory_space<vmem_shared>> -> memref<1x1x16x3328xf32, #tpu.memory_space<vmem_shared>>
      %dma_start3A_223 = tpu.memref_squeeze %dma_start3A_222 : memref<1x1x16x3328xf32, #tpu.memory_space<vmem_shared>> -> memref<16x3328xf32, #tpu.memory_space<vmem_shared>>
      %dma_start3A_224 = arith.constant 0 : i32
      %dma_start3A_225 = tpu.memref_slice %dma_start3A_223[%dma_start3A_224, %multiple_of3A_8] : memref<16x3328xf32, #tpu.memory_space<vmem_shared>> -> memref<16x128xf32, #tpu.memory_space<vmem_shared>>
      tpu.enqueue_dma source(%dma_start3A_225 : memref<16x128xf32, #tpu.memory_space<vmem_shared>>) target(%dma_start3A_219 : memref<16x128xf32, #tpu.memory_space<hbm>>) target_semaphore(%arg9 : memref<!tpu.dma_semaphore, #tpu.memory_space<semaphore_mem>>)
      %add3A_226 = arith.constant 32768 : i32
      %add3A_227 = arith.addi %add3A_226, %multiple_of3A_198 : i32
      %dma_start3A_228 = arith.constant 0 : i32
      %dma_start3A_229 = tpu.memref_slice %arg4[%add3A_227, %dma_start3A_228] : memref<425984x128xf32, #tpu.memory_space<hbm>> -> memref<16x128xf32, #tpu.memory_space<hbm>>
      %dma_start3A_230 = arith.constant 0 : i32
      %dma_start3A_231 = arith.constant 0 : i32
      %dma_start3A_232 = tpu.memref_slice %arg6[%arg1, %scan3A_174, %dma_start3A_230, %dma_start3A_231] : memref<16x2x16x3328xf32, #tpu.memory_space<vmem_shared>> -> memref<1x1x16x3328xf32, #tpu.memory_space<vmem_shared>>
      %dma_start3A_233 = tpu.memref_squeeze %dma_start3A_232 : memref<1x1x16x3328xf32, #tpu.memory_space<vmem_shared>> -> memref<16x3328xf32, #tpu.memory_space<vmem_shared>>
      %dma_start3A_234 = arith.constant 0 : i32
      %dma_start3A_235 = tpu.memref_slice %dma_start3A_233[%dma_start3A_234, %multiple_of3A_14] : memref<16x3328xf32, #tpu.memory_space<vmem_shared>> -> memref<16x128xf32, #tpu.memory_space<vmem_shared>>
      tpu.enqueue_dma source(%dma_start3A_235 : memref<16x128xf32, #tpu.memory_space<vmem_shared>>) target(%dma_start3A_229 : memref<16x128xf32, #tpu.memory_space<hbm>>) target_semaphore(%arg9 : memref<!tpu.dma_semaphore, #tpu.memory_space<semaphore_mem>>)
      %add3A_236 = arith.constant 49152 : i32
      %add3A_237 = arith.addi %add3A_236, %multiple_of3A_198 : i32
      %dma_start3A_238 = arith.constant 0 : i32
      %dma_start3A_239 = tpu.memref_slice %arg4[%add3A_237, %dma_start3A_238] : memref<425984x128xf32, #tpu.memory_space<hbm>> -> memref<16x128xf32, #tpu.memory_space<hbm>>
      %dma_start3A_240 = arith.constant 0 : i32
      %dma_start3A_241 = arith.constant 0 : i32
      %dma_start3A_242 = tpu.memref_slice %arg6[%arg1, %scan3A_174, %dma_start3A_240, %dma_start3A_241] : memref<16x2x16x3328xf32, #tpu.memory_space<vmem_shared>> -> memref<1x1x16x3328xf32, #tpu.memory_space<vmem_shared>>
      %dma_start3A_243 = tpu.memref_squeeze %dma_start3A_242 : memref<1x1x16x3328xf32, #tpu.memory_space<vmem_shared>> -> memref<16x3328xf32, #tpu.memory_space<vmem_shared>>
      %dma_start3A_244 = arith.constant 0 : i32
      %dma_start3A_245 = tpu.memref_slice %dma_start3A_243[%dma_start3A_244, %multiple_of3A_20] : memref<16x3328xf32, #tpu.memory_space<vmem_shared>> -> memref<16x128xf32, #tpu.memory_space<vmem_shared>>
      tpu.enqueue_dma source(%dma_start3A_245 : memref<16x128xf32, #tpu.memory_space<vmem_shared>>) target(%dma_start3A_239 : memref<16x128xf32, #tpu.memory_space<hbm>>) target_semaphore(%arg9 : memref<!tpu.dma_semaphore, #tpu.memory_space<semaphore_mem>>)
      %add3A_246 = arith.constant 65536 : i32
      %add3A_247 = arith.addi %add3A_246, %multiple_of3A_198 : i32
      %dma_start3A_248 = arith.constant 0 : i32
      %dma_start3A_249 = tpu.memref_slice %arg4[%add3A_247, %dma_start3A_248] : memref<425984x128xf32, #tpu.memory_space<hbm>> -> memref<16x128xf32, #tpu.memory_space<hbm>>
      %dma_start3A_250 = arith.constant 0 : i32
      %dma_start3A_251 = arith.constant 0 : i32
      %dma_start3A_252 = tpu.memref_slice %arg6[%arg1, %scan3A_174, %dma_start3A_250, %dma_start3A_251] : memref<16x2x16x3328xf32, #tpu.memory_space<vmem_shared>> -> memref<1x1x16x3328xf32, #tpu.memory_space<vmem_shared>>
      %dma_start3A_253 = tpu.memref_squeeze %dma_start3A_252 : memref<1x1x16x3328xf32, #tpu.memory_space<vmem_shared>> -> memref<16x3328xf32, #tpu.memory_space<vmem_shared>>
      %dma_start3A_254 = arith.constant 0 : i32
      %dma_start3A_255 = tpu.memref_slice %dma_start3A_253[%dma_start3A_254, %multiple_of3A_26] : memref<16x3328xf32, #tpu.memory_space<vmem_shared>> -> memref<16x128xf32, #tpu.memory_space<vmem_shared>>
      tpu.enqueue_dma source(%dma_start3A_255 : memref<16x128xf32, #tpu.memory_space<vmem_shared>>) target(%dma_start3A_249 : memref<16x128xf32, #tpu.memory_space<hbm>>) target_semaphore(%arg9 : memref<!tpu.dma_semaphore, #tpu.memory_space<semaphore_mem>>)
      %add3A_256 = arith.constant 81920 : i32
      %add3A_257 = arith.addi %add3A_256, %multiple_of3A_198 : i32
      %dma_start3A_258 = arith.constant 0 : i32
      %dma_start3A_259 = tpu.memref_slice %arg4[%add3A_257, %dma_start3A_258] : memref<425984x128xf32, #tpu.memory_space<hbm>> -> memref<16x128xf32, #tpu.memory_space<hbm>>
      %dma_start3A_260 = arith.constant 0 : i32
      %dma_start3A_261 = arith.constant 0 : i32
      %dma_start3A_262 = tpu.memref_slice %arg6[%arg1, %scan3A_174, %dma_start3A_260, %dma_start3A_261] : memref<16x2x16x3328xf32, #tpu.memory_space<vmem_shared>> -> memref<1x1x16x3328xf32, #tpu.memory_space<vmem_shared>>
      %dma_start3A_263 = tpu.memref_squeeze %dma_start3A_262 : memref<1x1x16x3328xf32, #tpu.memory_space<vmem_shared>> -> memref<16x3328xf32, #tpu.memory_space<vmem_shared>>
      %dma_start3A_264 = arith.constant 0 : i32
      %dma_start3A_265 = tpu.memref_slice %dma_start3A_263[%dma_start3A_264, %multiple_of3A_32] : memref<16x3328xf32, #tpu.memory_space<vmem_shared>> -> memref<16x128xf32, #tpu.memory_space<vmem_shared>>
      tpu.enqueue_dma source(%dma_start3A_265 : memref<16x128xf32, #tpu.memory_space<vmem_shared>>) target(%dma_start3A_259 : memref<16x128xf32, #tpu.memory_space<hbm>>) target_semaphore(%arg9 : memref<!tpu.dma_semaphore, #tpu.memory_space<semaphore_mem>>)
      %add3A_266 = arith.constant 98304 : i32
      %add3A_267 = arith.addi %add3A_266, %multiple_of3A_198 : i32
      %dma_start3A_268 = arith.constant 0 : i32
      %dma_start3A_269 = tpu.memref_slice %arg4[%add3A_267, %dma_start3A_268] : memref<425984x128xf32, #tpu.memory_space<hbm>> -> memref<16x128xf32, #tpu.memory_space<hbm>>
      %dma_start3A_270 = arith.constant 0 : i32
      %dma_start3A_271 = arith.constant 0 : i32
      %dma_start3A_272 = tpu.memref_slice %arg6[%arg1, %scan3A_174, %dma_start3A_270, %dma_start3A_271] : memref<16x2x16x3328xf32, #tpu.memory_space<vmem_shared>> -> memref<1x1x16x3328xf32, #tpu.memory_space<vmem_shared>>
      %dma_start3A_273 = tpu.memref_squeeze %dma_start3A_272 : memref<1x1x16x3328xf32, #tpu.memory_space<vmem_shared>> -> memref<16x3328xf32, #tpu.memory_space<vmem_shared>>
      %dma_start3A_274 = arith.constant 0 : i32
      %dma_start3A_275 = tpu.memref_slice %dma_start3A_273[%dma_start3A_274, %multiple_of3A_38] : memref<16x3328xf32, #tpu.memory_space<vmem_shared>> -> memref<16x128xf32, #tpu.memory_space<vmem_shared>>
      tpu.enqueue_dma source(%dma_start3A_275 : memref<16x128xf32, #tpu.memory_space<vmem_shared>>) target(%dma_start3A_269 : memref<16x128xf32, #tpu.memory_space<hbm>>) target_semaphore(%arg9 : memref<!tpu.dma_semaphore, #tpu.memory_space<semaphore_mem>>)
      %add3A_276 = arith.constant 114688 : i32
      %add3A_277 = arith.addi %add3A_276, %multiple_of3A_198 : i32
      %dma_start3A_278 = arith.constant 0 : i32
      %dma_start3A_279 = tpu.memref_slice %arg4[%add3A_277, %dma_start3A_278] : memref<425984x128xf32, #tpu.memory_space<hbm>> -> memref<16x128xf32, #tpu.memory_space<hbm>>
      %dma_start3A_280 = arith.constant 0 : i32
      %dma_start3A_281 = arith.constant 0 : i32
      %dma_start3A_282 = tpu.memref_slice %arg6[%arg1, %scan3A_174, %dma_start3A_280, %dma_start3A_281] : memref<16x2x16x3328xf32, #tpu.memory_space<vmem_shared>> -> memref<1x1x16x3328xf32, #tpu.memory_space<vmem_shared>>
      %dma_start3A_283 = tpu.memref_squeeze %dma_start3A_282 : memref<1x1x16x3328xf32, #tpu.memory_space<vmem_shared>> -> memref<16x3328xf32, #tpu.memory_space<vmem_shared>>
      %dma_start3A_284 = arith.constant 0 : i32
      %dma_start3A_285 = tpu.memref_slice %dma_start3A_283[%dma_start3A_284, %multiple_of3A_44] : memref<16x3328xf32, #tpu.memory_space<vmem_shared>> -> memref<16x128xf32, #tpu.memory_space<vmem_shared>>
      tpu.enqueue_dma source(%dma_start3A_285 : memref<16x128xf32, #tpu.memory_space<vmem_shared>>) target(%dma_start3A_279 : memref<16x128xf32, #tpu.memory_space<hbm>>) target_semaphore(%arg9 : memref<!tpu.dma_semaphore, #tpu.memory_space<semaphore_mem>>)
      %add3A_286 = arith.constant 131072 : i32
      %add3A_287 = arith.addi %add3A_286, %multiple_of3A_198 : i32
      %dma_start3A_288 = arith.constant 0 : i32
      %dma_start3A_289 = tpu.memref_slice %arg4[%add3A_287, %dma_start3A_288] : memref<425984x128xf32, #tpu.memory_space<hbm>> -> memref<16x128xf32, #tpu.memory_space<hbm>>
      %dma_start3A_290 = arith.constant 0 : i32
      %dma_start3A_291 = arith.constant 0 : i32
      %dma_start3A_292 = tpu.memref_slice %arg6[%arg1, %scan3A_174, %dma_start3A_290, %dma_start3A_291] : memref<16x2x16x3328xf32, #tpu.memory_space<vmem_shared>> -> memref<1x1x16x3328xf32, #tpu.memory_space<vmem_shared>>
      %dma_start3A_293 = tpu.memref_squeeze %dma_start3A_292 : memref<1x1x16x3328xf32, #tpu.memory_space<vmem_shared>> -> memref<16x3328xf32, #tpu.memory_space<vmem_shared>>
      %dma_start3A_294 = arith.constant 0 : i32
      %dma_start3A_295 = tpu.memref_slice %dma_start3A_293[%dma_start3A_294, %multiple_of3A_50] : memref<16x3328xf32, #tpu.memory_space<vmem_shared>> -> memref<16x128xf32, #tpu.memory_space<vmem_shared>>
      tpu.enqueue_dma source(%dma_start3A_295 : memref<16x128xf32, #tpu.memory_space<vmem_shared>>) target(%dma_start3A_289 : memref<16x128xf32, #tpu.memory_space<hbm>>) target_semaphore(%arg9 : memref<!tpu.dma_semaphore, #tpu.memory_space<semaphore_mem>>)
      %add3A_296 = arith.constant 147456 : i32
      %add3A_297 = arith.addi %add3A_296, %multiple_of3A_198 : i32
      %dma_start3A_298 = arith.constant 0 : i32
      %dma_start3A_299 = tpu.memref_slice %arg4[%add3A_297, %dma_start3A_298] : memref<425984x128xf32, #tpu.memory_space<hbm>> -> memref<16x128xf32, #tpu.memory_space<hbm>>
      %dma_start3A_300 = arith.constant 0 : i32
      %dma_start3A_301 = arith.constant 0 : i32
      %dma_start3A_302 = tpu.memref_slice %arg6[%arg1, %scan3A_174, %dma_start3A_300, %dma_start3A_301] : memref<16x2x16x3328xf32, #tpu.memory_space<vmem_shared>> -> memref<1x1x16x3328xf32, #tpu.memory_space<vmem_shared>>
      %dma_start3A_303 = tpu.memref_squeeze %dma_start3A_302 : memref<1x1x16x3328xf32, #tpu.memory_space<vmem_shared>> -> memref<16x3328xf32, #tpu.memory_space<vmem_shared>>
      %dma_start3A_304 = arith.constant 0 : i32
      %dma_start3A_305 = tpu.memref_slice %dma_start3A_303[%dma_start3A_304, %multiple_of3A_56] : memref<16x3328xf32, #tpu.memory_space<vmem_shared>> -> memref<16x128xf32, #tpu.memory_space<vmem_shared>>
      tpu.enqueue_dma source(%dma_start3A_305 : memref<16x128xf32, #tpu.memory_space<vmem_shared>>) target(%dma_start3A_299 : memref<16x128xf32, #tpu.memory_space<hbm>>) target_semaphore(%arg9 : memref<!tpu.dma_semaphore, #tpu.memory_space<semaphore_mem>>)
      %add3A_306 = arith.constant 163840 : i32
      %add3A_307 = arith.addi %add3A_306, %multiple_of3A_198 : i32
      %dma_start3A_308 = arith.constant 0 : i32
      %dma_start3A_309 = tpu.memref_slice %arg4[%add3A_307, %dma_start3A_308] : memref<425984x128xf32, #tpu.memory_space<hbm>> -> memref<16x128xf32, #tpu.memory_space<hbm>>
      %dma_start3A_310 = arith.constant 0 : i32
      %dma_start3A_311 = arith.constant 0 : i32
      %dma_start3A_312 = tpu.memref_slice %arg6[%arg1, %scan3A_174, %dma_start3A_310, %dma_start3A_311] : memref<16x2x16x3328xf32, #tpu.memory_space<vmem_shared>> -> memref<1x1x16x3328xf32, #tpu.memory_space<vmem_shared>>
      %dma_start3A_313 = tpu.memref_squeeze %dma_start3A_312 : memref<1x1x16x3328xf32, #tpu.memory_space<vmem_shared>> -> memref<16x3328xf32, #tpu.memory_space<vmem_shared>>
      %dma_start3A_314 = arith.constant 0 : i32
      %dma_start3A_315 = tpu.memref_slice %dma_start3A_313[%dma_start3A_314, %multiple_of3A_62] : memref<16x3328xf32, #tpu.memory_space<vmem_shared>> -> memref<16x128xf32, #tpu.memory_space<vmem_shared>>
      tpu.enqueue_dma source(%dma_start3A_315 : memref<16x128xf32, #tpu.memory_space<vmem_shared>>) target(%dma_start3A_309 : memref<16x128xf32, #tpu.memory_space<hbm>>) target_semaphore(%arg9 : memref<!tpu.dma_semaphore, #tpu.memory_space<semaphore_mem>>)
      %add3A_316 = arith.constant 180224 : i32
      %add3A_317 = arith.addi %add3A_316, %multiple_of3A_198 : i32
      %dma_start3A_318 = arith.constant 0 : i32
      %dma_start3A_319 = tpu.memref_slice %arg4[%add3A_317, %dma_start3A_318] : memref<425984x128xf32, #tpu.memory_space<hbm>> -> memref<16x128xf32, #tpu.memory_space<hbm>>
      %dma_start3A_320 = arith.constant 0 : i32
      %dma_start3A_321 = arith.constant 0 : i32
      %dma_start3A_322 = tpu.memref_slice %arg6[%arg1, %scan3A_174, %dma_start3A_320, %dma_start3A_321] : memref<16x2x16x3328xf32, #tpu.memory_space<vmem_shared>> -> memref<1x1x16x3328xf32, #tpu.memory_space<vmem_shared>>
      %dma_start3A_323 = tpu.memref_squeeze %dma_start3A_322 : memref<1x1x16x3328xf32, #tpu.memory_space<vmem_shared>> -> memref<16x3328xf32, #tpu.memory_space<vmem_shared>>
      %dma_start3A_324 = arith.constant 0 : i32
      %dma_start3A_325 = tpu.memref_slice %dma_start3A_323[%dma_start3A_324, %multiple_of3A_68] : memref<16x3328xf32, #tpu.memory_space<vmem_shared>> -> memref<16x128xf32, #tpu.memory_space<vmem_shared>>
      tpu.enqueue_dma source(%dma_start3A_325 : memref<16x128xf32, #tpu.memory_space<vmem_shared>>) target(%dma_start3A_319 : memref<16x128xf32, #tpu.memory_space<hbm>>) target_semaphore(%arg9 : memref<!tpu.dma_semaphore, #tpu.memory_space<semaphore_mem>>)
      %add3A_326 = arith.constant 196608 : i32
      %add3A_327 = arith.addi %add3A_326, %multiple_of3A_198 : i32
      %dma_start3A_328 = arith.constant 0 : i32
      %dma_start3A_329 = tpu.memref_slice %arg4[%add3A_327, %dma_start3A_328] : memref<425984x128xf32, #tpu.memory_space<hbm>> -> memref<16x128xf32, #tpu.memory_space<hbm>>
      %dma_start3A_330 = arith.constant 0 : i32
      %dma_start3A_331 = arith.constant 0 : i32
      %dma_start3A_332 = tpu.memref_slice %arg6[%arg1, %scan3A_174, %dma_start3A_330, %dma_start3A_331] : memref<16x2x16x3328xf32, #tpu.memory_space<vmem_shared>> -> memref<1x1x16x3328xf32, #tpu.memory_space<vmem_shared>>
      %dma_start3A_333 = tpu.memref_squeeze %dma_start3A_332 : memref<1x1x16x3328xf32, #tpu.memory_space<vmem_shared>> -> memref<16x3328xf32, #tpu.memory_space<vmem_shared>>
      %dma_start3A_334 = arith.constant 0 : i32
      %dma_start3A_335 = tpu.memref_slice %dma_start3A_333[%dma_start3A_334, %multiple_of3A_74] : memref<16x3328xf32, #tpu.memory_space<vmem_shared>> -> memref<16x128xf32, #tpu.memory_space<vmem_shared>>
      tpu.enqueue_dma source(%dma_start3A_335 : memref<16x128xf32, #tpu.memory_space<vmem_shared>>) target(%dma_start3A_329 : memref<16x128xf32, #tpu.memory_space<hbm>>) target_semaphore(%arg9 : memref<!tpu.dma_semaphore, #tpu.memory_space<semaphore_mem>>)
      %add3A_336 = arith.constant 212992 : i32
      %add3A_337 = arith.addi %add3A_336, %multiple_of3A_198 : i32
      %dma_start3A_338 = arith.constant 0 : i32
      %dma_start3A_339 = tpu.memref_slice %arg4[%add3A_337, %dma_start3A_338] : memref<425984x128xf32, #tpu.memory_space<hbm>> -> memref<16x128xf32, #tpu.memory_space<hbm>>
      %dma_start3A_340 = arith.constant 0 : i32
      %dma_start3A_341 = arith.constant 0 : i32
      %dma_start3A_342 = tpu.memref_slice %arg6[%arg1, %scan3A_174, %dma_start3A_340, %dma_start3A_341] : memref<16x2x16x3328xf32, #tpu.memory_space<vmem_shared>> -> memref<1x1x16x3328xf32, #tpu.memory_space<vmem_shared>>
      %dma_start3A_343 = tpu.memref_squeeze %dma_start3A_342 : memref<1x1x16x3328xf32, #tpu.memory_space<vmem_shared>> -> memref<16x3328xf32, #tpu.memory_space<vmem_shared>>
      %dma_start3A_344 = arith.constant 0 : i32
      %dma_start3A_345 = tpu.memref_slice %dma_start3A_343[%dma_start3A_344, %multiple_of3A_80] : memref<16x3328xf32, #tpu.memory_space<vmem_shared>> -> memref<16x128xf32, #tpu.memory_space<vmem_shared>>
      tpu.enqueue_dma source(%dma_start3A_345 : memref<16x128xf32, #tpu.memory_space<vmem_shared>>) target(%dma_start3A_339 : memref<16x128xf32, #tpu.memory_space<hbm>>) target_semaphore(%arg9 : memref<!tpu.dma_semaphore, #tpu.memory_space<semaphore_mem>>)
      %add3A_346 = arith.constant 229376 : i32
      %add3A_347 = arith.addi %add3A_346, %multiple_of3A_198 : i32
      %dma_start3A_348 = arith.constant 0 : i32
      %dma_start3A_349 = tpu.memref_slice %arg4[%add3A_347, %dma_start3A_348] : memref<425984x128xf32, #tpu.memory_space<hbm>> -> memref<16x128xf32, #tpu.memory_space<hbm>>
      %dma_start3A_350 = arith.constant 0 : i32
      %dma_start3A_351 = arith.constant 0 : i32
      %dma_start3A_352 = tpu.memref_slice %arg6[%arg1, %scan3A_174, %dma_start3A_350, %dma_start3A_351] : memref<16x2x16x3328xf32, #tpu.memory_space<vmem_shared>> -> memref<1x1x16x3328xf32, #tpu.memory_space<vmem_shared>>
      %dma_start3A_353 = tpu.memref_squeeze %dma_start3A_352 : memref<1x1x16x3328xf32, #tpu.memory_space<vmem_shared>> -> memref<16x3328xf32, #tpu.memory_space<vmem_shared>>
      %dma_start3A_354 = arith.constant 0 : i32
      %dma_start3A_355 = tpu.memref_slice %dma_start3A_353[%dma_start3A_354, %multiple_of3A_86] : memref<16x3328xf32, #tpu.memory_space<vmem_shared>> -> memref<16x128xf32, #tpu.memory_space<vmem_shared>>
      tpu.enqueue_dma source(%dma_start3A_355 : memref<16x128xf32, #tpu.memory_space<vmem_shared>>) target(%dma_start3A_349 : memref<16x128xf32, #tpu.memory_space<hbm>>) target_semaphore(%arg9 : memref<!tpu.dma_semaphore, #tpu.memory_space<semaphore_mem>>)
      %add3A_356 = arith.constant 245760 : i32
      %add3A_357 = arith.addi %add3A_356, %multiple_of3A_198 : i32
      %dma_start3A_358 = arith.constant 0 : i32
      %dma_start3A_359 = tpu.memref_slice %arg4[%add3A_357, %dma_start3A_358] : memref<425984x128xf32, #tpu.memory_space<hbm>> -> memref<16x128xf32, #tpu.memory_space<hbm>>
      %dma_start3A_360 = arith.constant 0 : i32
      %dma_start3A_361 = arith.constant 0 : i32
      %dma_start3A_362 = tpu.memref_slice %arg6[%arg1, %scan3A_174, %dma_start3A_360, %dma_start3A_361] : memref<16x2x16x3328xf32, #tpu.memory_space<vmem_shared>> -> memref<1x1x16x3328xf32, #tpu.memory_space<vmem_shared>>
      %dma_start3A_363 = tpu.memref_squeeze %dma_start3A_362 : memref<1x1x16x3328xf32, #tpu.memory_space<vmem_shared>> -> memref<16x3328xf32, #tpu.memory_space<vmem_shared>>
      %dma_start3A_364 = arith.constant 0 : i32
      %dma_start3A_365 = tpu.memref_slice %dma_start3A_363[%dma_start3A_364, %multiple_of3A_92] : memref<16x3328xf32, #tpu.memory_space<vmem_shared>> -> memref<16x128xf32, #tpu.memory_space<vmem_shared>>
      tpu.enqueue_dma source(%dma_start3A_365 : memref<16x128xf32, #tpu.memory_space<vmem_shared>>) target(%dma_start3A_359 : memref<16x128xf32, #tpu.memory_space<hbm>>) target_semaphore(%arg9 : memref<!tpu.dma_semaphore, #tpu.memory_space<semaphore_mem>>)
      %add3A_366 = arith.constant 262144 : i32
      %add3A_367 = arith.addi %add3A_366, %multiple_of3A_198 : i32
      %dma_start3A_368 = arith.constant 0 : i32
      %dma_start3A_369 = tpu.memref_slice %arg4[%add3A_367, %dma_start3A_368] : memref<425984x128xf32, #tpu.memory_space<hbm>> -> memref<16x128xf32, #tpu.memory_space<hbm>>
      %dma_start3A_370 = arith.constant 0 : i32
      %dma_start3A_371 = arith.constant 0 : i32
      %dma_start3A_372 = tpu.memref_slice %arg6[%arg1, %scan3A_174, %dma_start3A_370, %dma_start3A_371] : memref<16x2x16x3328xf32, #tpu.memory_space<vmem_shared>> -> memref<1x1x16x3328xf32, #tpu.memory_space<vmem_shared>>
      %dma_start3A_373 = tpu.memref_squeeze %dma_start3A_372 : memref<1x1x16x3328xf32, #tpu.memory_space<vmem_shared>> -> memref<16x3328xf32, #tpu.memory_space<vmem_shared>>
      %dma_start3A_374 = arith.constant 0 : i32
      %dma_start3A_375 = tpu.memref_slice %dma_start3A_373[%dma_start3A_374, %multiple_of3A_98] : memref<16x3328xf32, #tpu.memory_space<vmem_shared>> -> memref<16x128xf32, #tpu.memory_space<vmem_shared>>
      tpu.enqueue_dma source(%dma_start3A_375 : memref<16x128xf32, #tpu.memory_space<vmem_shared>>) target(%dma_start3A_369 : memref<16x128xf32, #tpu.memory_space<hbm>>) target_semaphore(%arg9 : memref<!tpu.dma_semaphore, #tpu.memory_space<semaphore_mem>>)
      %add3A_376 = arith.constant 278528 : i32
      %add3A_377 = arith.addi %add3A_376, %multiple_of3A_198 : i32
      %dma_start3A_378 = arith.constant 0 : i32
      %dma_start3A_379 = tpu.memref_slice %arg4[%add3A_377, %dma_start3A_378] : memref<425984x128xf32, #tpu.memory_space<hbm>> -> memref<16x128xf32, #tpu.memory_space<hbm>>
      %dma_start3A_380 = arith.constant 0 : i32
      %dma_start3A_381 = arith.constant 0 : i32
      %dma_start3A_382 = tpu.memref_slice %arg6[%arg1, %scan3A_174, %dma_start3A_380, %dma_start3A_381] : memref<16x2x16x3328xf32, #tpu.memory_space<vmem_shared>> -> memref<1x1x16x3328xf32, #tpu.memory_space<vmem_shared>>
      %dma_start3A_383 = tpu.memref_squeeze %dma_start3A_382 : memref<1x1x16x3328xf32, #tpu.memory_space<vmem_shared>> -> memref<16x3328xf32, #tpu.memory_space<vmem_shared>>
      %dma_start3A_384 = arith.constant 0 : i32
      %dma_start3A_385 = tpu.memref_slice %dma_start3A_383[%dma_start3A_384, %multiple_of3A_104] : memref<16x3328xf32, #tpu.memory_space<vmem_shared>> -> memref<16x128xf32, #tpu.memory_space<vmem_shared>>
      tpu.enqueue_dma source(%dma_start3A_385 : memref<16x128xf32, #tpu.memory_space<vmem_shared>>) target(%dma_start3A_379 : memref<16x128xf32, #tpu.memory_space<hbm>>) target_semaphore(%arg9 : memref<!tpu.dma_semaphore, #tpu.memory_space<semaphore_mem>>)
      %add3A_386 = arith.constant 294912 : i32
      %add3A_387 = arith.addi %add3A_386, %multiple_of3A_198 : i32
      %dma_start3A_388 = arith.constant 0 : i32
      %dma_start3A_389 = tpu.memref_slice %arg4[%add3A_387, %dma_start3A_388] : memref<425984x128xf32, #tpu.memory_space<hbm>> -> memref<16x128xf32, #tpu.memory_space<hbm>>
      %dma_start3A_390 = arith.constant 0 : i32
      %dma_start3A_391 = arith.constant 0 : i32
      %dma_start3A_392 = tpu.memref_slice %arg6[%arg1, %scan3A_174, %dma_start3A_390, %dma_start3A_391] : memref<16x2x16x3328xf32, #tpu.memory_space<vmem_shared>> -> memref<1x1x16x3328xf32, #tpu.memory_space<vmem_shared>>
      %dma_start3A_393 = tpu.memref_squeeze %dma_start3A_392 : memref<1x1x16x3328xf32, #tpu.memory_space<vmem_shared>> -> memref<16x3328xf32, #tpu.memory_space<vmem_shared>>
      %dma_start3A_394 = arith.constant 0 : i32
      %dma_start3A_395 = tpu.memref_slice %dma_start3A_393[%dma_start3A_394, %multiple_of3A_110] : memref<16x3328xf32, #tpu.memory_space<vmem_shared>> -> memref<16x128xf32, #tpu.memory_space<vmem_shared>>
      tpu.enqueue_dma source(%dma_start3A_395 : memref<16x128xf32, #tpu.memory_space<vmem_shared>>) target(%dma_start3A_389 : memref<16x128xf32, #tpu.memory_space<hbm>>) target_semaphore(%arg9 : memref<!tpu.dma_semaphore, #tpu.memory_space<semaphore_mem>>)
      %add3A_396 = arith.constant 311296 : i32
      %add3A_397 = arith.addi %add3A_396, %multiple_of3A_198 : i32
      %dma_start3A_398 = arith.constant 0 : i32
      %dma_start3A_399 = tpu.memref_slice %arg4[%add3A_397, %dma_start3A_398] : memref<425984x128xf32, #tpu.memory_space<hbm>> -> memref<16x128xf32, #tpu.memory_space<hbm>>
      %dma_start3A_400 = arith.constant 0 : i32
      %dma_start3A_401 = arith.constant 0 : i32
      %dma_start3A_402 = tpu.memref_slice %arg6[%arg1, %scan3A_174, %dma_start3A_400, %dma_start3A_401] : memref<16x2x16x3328xf32, #tpu.memory_space<vmem_shared>> -> memref<1x1x16x3328xf32, #tpu.memory_space<vmem_shared>>
      %dma_start3A_403 = tpu.memref_squeeze %dma_start3A_402 : memref<1x1x16x3328xf32, #tpu.memory_space<vmem_shared>> -> memref<16x3328xf32, #tpu.memory_space<vmem_shared>>
      %dma_start3A_404 = arith.constant 0 : i32
      %dma_start3A_405 = tpu.memref_slice %dma_start3A_403[%dma_start3A_404, %multiple_of3A_116] : memref<16x3328xf32, #tpu.memory_space<vmem_shared>> -> memref<16x128xf32, #tpu.memory_space<vmem_shared>>
      tpu.enqueue_dma source(%dma_start3A_405 : memref<16x128xf32, #tpu.memory_space<vmem_shared>>) target(%dma_start3A_399 : memref<16x128xf32, #tpu.memory_space<hbm>>) target_semaphore(%arg9 : memref<!tpu.dma_semaphore, #tpu.memory_space<semaphore_mem>>)
      %add3A_406 = arith.constant 327680 : i32
      %add3A_407 = arith.addi %add3A_406, %multiple_of3A_198 : i32
      %dma_start3A_408 = arith.constant 0 : i32
      %dma_start3A_409 = tpu.memref_slice %arg4[%add3A_407, %dma_start3A_408] : memref<425984x128xf32, #tpu.memory_space<hbm>> -> memref<16x128xf32, #tpu.memory_space<hbm>>
      %dma_start3A_410 = arith.constant 0 : i32
      %dma_start3A_411 = arith.constant 0 : i32
      %dma_start3A_412 = tpu.memref_slice %arg6[%arg1, %scan3A_174, %dma_start3A_410, %dma_start3A_411] : memref<16x2x16x3328xf32, #tpu.memory_space<vmem_shared>> -> memref<1x1x16x3328xf32, #tpu.memory_space<vmem_shared>>
      %dma_start3A_413 = tpu.memref_squeeze %dma_start3A_412 : memref<1x1x16x3328xf32, #tpu.memory_space<vmem_shared>> -> memref<16x3328xf32, #tpu.memory_space<vmem_shared>>
      %dma_start3A_414 = arith.constant 0 : i32
      %dma_start3A_415 = tpu.memref_slice %dma_start3A_413[%dma_start3A_414, %multiple_of3A_122] : memref<16x3328xf32, #tpu.memory_space<vmem_shared>> -> memref<16x128xf32, #tpu.memory_space<vmem_shared>>
      tpu.enqueue_dma source(%dma_start3A_415 : memref<16x128xf32, #tpu.memory_space<vmem_shared>>) target(%dma_start3A_409 : memref<16x128xf32, #tpu.memory_space<hbm>>) target_semaphore(%arg9 : memref<!tpu.dma_semaphore, #tpu.memory_space<semaphore_mem>>)
      %add3A_416 = arith.constant 344064 : i32
      %add3A_417 = arith.addi %add3A_416, %multiple_of3A_198 : i32
      %dma_start3A_418 = arith.constant 0 : i32
      %dma_start3A_419 = tpu.memref_slice %arg4[%add3A_417, %dma_start3A_418] : memref<425984x128xf32, #tpu.memory_space<hbm>> -> memref<16x128xf32, #tpu.memory_space<hbm>>
      %dma_start3A_420 = arith.constant 0 : i32
      %dma_start3A_421 = arith.constant 0 : i32
      %dma_start3A_422 = tpu.memref_slice %arg6[%arg1, %scan3A_174, %dma_start3A_420, %dma_start3A_421] : memref<16x2x16x3328xf32, #tpu.memory_space<vmem_shared>> -> memref<1x1x16x3328xf32, #tpu.memory_space<vmem_shared>>
      %dma_start3A_423 = tpu.memref_squeeze %dma_start3A_422 : memref<1x1x16x3328xf32, #tpu.memory_space<vmem_shared>> -> memref<16x3328xf32, #tpu.memory_space<vmem_shared>>
      %dma_start3A_424 = arith.constant 0 : i32
      %dma_start3A_425 = tpu.memref_slice %dma_start3A_423[%dma_start3A_424, %multiple_of3A_128] : memref<16x3328xf32, #tpu.memory_space<vmem_shared>> -> memref<16x128xf32, #tpu.memory_space<vmem_shared>>
      tpu.enqueue_dma source(%dma_start3A_425 : memref<16x128xf32, #tpu.memory_space<vmem_shared>>) target(%dma_start3A_419 : memref<16x128xf32, #tpu.memory_space<hbm>>) target_semaphore(%arg9 : memref<!tpu.dma_semaphore, #tpu.memory_space<semaphore_mem>>)
      %add3A_426 = arith.constant 360448 : i32
      %add3A_427 = arith.addi %add3A_426, %multiple_of3A_198 : i32
      %dma_start3A_428 = arith.constant 0 : i32
      %dma_start3A_429 = tpu.memref_slice %arg4[%add3A_427, %dma_start3A_428] : memref<425984x128xf32, #tpu.memory_space<hbm>> -> memref<16x128xf32, #tpu.memory_space<hbm>>
      %dma_start3A_430 = arith.constant 0 : i32
      %dma_start3A_431 = arith.constant 0 : i32
      %dma_start3A_432 = tpu.memref_slice %arg6[%arg1, %scan3A_174, %dma_start3A_430, %dma_start3A_431] : memref<16x2x16x3328xf32, #tpu.memory_space<vmem_shared>> -> memref<1x1x16x3328xf32, #tpu.memory_space<vmem_shared>>
      %dma_start3A_433 = tpu.memref_squeeze %dma_start3A_432 : memref<1x1x16x3328xf32, #tpu.memory_space<vmem_shared>> -> memref<16x3328xf32, #tpu.memory_space<vmem_shared>>
      %dma_start3A_434 = arith.constant 0 : i32
      %dma_start3A_435 = tpu.memref_slice %dma_start3A_433[%dma_start3A_434, %multiple_of3A_134] : memref<16x3328xf32, #tpu.memory_space<vmem_shared>> -> memref<16x128xf32, #tpu.memory_space<vmem_shared>>
      tpu.enqueue_dma source(%dma_start3A_435 : memref<16x128xf32, #tpu.memory_space<vmem_shared>>) target(%dma_start3A_429 : memref<16x128xf32, #tpu.memory_space<hbm>>) target_semaphore(%arg9 : memref<!tpu.dma_semaphore, #tpu.memory_space<semaphore_mem>>)
      %add3A_436 = arith.constant 376832 : i32
      %add3A_437 = arith.addi %add3A_436, %multiple_of3A_198 : i32
      %dma_start3A_438 = arith.constant 0 : i32
      %dma_start3A_439 = tpu.memref_slice %arg4[%add3A_437, %dma_start3A_438] : memref<425984x128xf32, #tpu.memory_space<hbm>> -> memref<16x128xf32, #tpu.memory_space<hbm>>
      %dma_start3A_440 = arith.constant 0 : i32
      %dma_start3A_441 = arith.constant 0 : i32
      %dma_start3A_442 = tpu.memref_slice %arg6[%arg1, %scan3A_174, %dma_start3A_440, %dma_start3A_441] : memref<16x2x16x3328xf32, #tpu.memory_space<vmem_shared>> -> memref<1x1x16x3328xf32, #tpu.memory_space<vmem_shared>>
      %dma_start3A_443 = tpu.memref_squeeze %dma_start3A_442 : memref<1x1x16x3328xf32, #tpu.memory_space<vmem_shared>> -> memref<16x3328xf32, #tpu.memory_space<vmem_shared>>
      %dma_start3A_444 = arith.constant 0 : i32
      %dma_start3A_445 = tpu.memref_slice %dma_start3A_443[%dma_start3A_444, %multiple_of3A_140] : memref<16x3328xf32, #tpu.memory_space<vmem_shared>> -> memref<16x128xf32, #tpu.memory_space<vmem_shared>>
      tpu.enqueue_dma source(%dma_start3A_445 : memref<16x128xf32, #tpu.memory_space<vmem_shared>>) target(%dma_start3A_439 : memref<16x128xf32, #tpu.memory_space<hbm>>) target_semaphore(%arg9 : memref<!tpu.dma_semaphore, #tpu.memory_space<semaphore_mem>>)
      %add3A_446 = arith.constant 393216 : i32
      %add3A_447 = arith.addi %add3A_446, %multiple_of3A_198 : i32
      %dma_start3A_448 = arith.constant 0 : i32
      %dma_start3A_449 = tpu.memref_slice %arg4[%add3A_447, %dma_start3A_448] : memref<425984x128xf32, #tpu.memory_space<hbm>> -> memref<16x128xf32, #tpu.memory_space<hbm>>
      %dma_start3A_450 = arith.constant 0 : i32
      %dma_start3A_451 = arith.constant 0 : i32
      %dma_start3A_452 = tpu.memref_slice %arg6[%arg1, %scan3A_174, %dma_start3A_450, %dma_start3A_451] : memref<16x2x16x3328xf32, #tpu.memory_space<vmem_shared>> -> memref<1x1x16x3328xf32, #tpu.memory_space<vmem_shared>>
      %dma_start3A_453 = tpu.memref_squeeze %dma_start3A_452 : memref<1x1x16x3328xf32, #tpu.memory_space<vmem_shared>> -> memref<16x3328xf32, #tpu.memory_space<vmem_shared>>
      %dma_start3A_454 = arith.constant 0 : i32
      %dma_start3A_455 = tpu.memref_slice %dma_start3A_453[%dma_start3A_454, %multiple_of3A_146] : memref<16x3328xf32, #tpu.memory_space<vmem_shared>> -> memref<16x128xf32, #tpu.memory_space<vmem_shared>>
      tpu.enqueue_dma source(%dma_start3A_455 : memref<16x128xf32, #tpu.memory_space<vmem_shared>>) target(%dma_start3A_449 : memref<16x128xf32, #tpu.memory_space<hbm>>) target_semaphore(%arg9 : memref<!tpu.dma_semaphore, #tpu.memory_space<semaphore_mem>>)
      %add3A_456 = arith.constant 409600 : i32
      %add3A_457 = arith.addi %add3A_456, %multiple_of3A_198 : i32
      %dma_start3A_458 = arith.constant 0 : i32
      %dma_start3A_459 = tpu.memref_slice %arg4[%add3A_457, %dma_start3A_458] : memref<425984x128xf32, #tpu.memory_space<hbm>> -> memref<16x128xf32, #tpu.memory_space<hbm>>
      %dma_start3A_460 = arith.constant 0 : i32
      %dma_start3A_461 = arith.constant 0 : i32
      %dma_start3A_462 = tpu.memref_slice %arg6[%arg1, %scan3A_174, %dma_start3A_460, %dma_start3A_461] : memref<16x2x16x3328xf32, #tpu.memory_space<vmem_shared>> -> memref<1x1x16x3328xf32, #tpu.memory_space<vmem_shared>>
      %dma_start3A_463 = tpu.memref_squeeze %dma_start3A_462 : memref<1x1x16x3328xf32, #tpu.memory_space<vmem_shared>> -> memref<16x3328xf32, #tpu.memory_space<vmem_shared>>
      %dma_start3A_464 = arith.constant 0 : i32
      %dma_start3A_465 = tpu.memref_slice %dma_start3A_463[%dma_start3A_464, %multiple_of3A_152] : memref<16x3328xf32, #tpu.memory_space<vmem_shared>> -> memref<16x128xf32, #tpu.memory_space<vmem_shared>>
      tpu.enqueue_dma source(%dma_start3A_465 : memref<16x128xf32, #tpu.memory_space<vmem_shared>>) target(%dma_start3A_459 : memref<16x128xf32, #tpu.memory_space<hbm>>) target_semaphore(%arg9 : memref<!tpu.dma_semaphore, #tpu.memory_space<semaphore_mem>>)
      %add3A_466 = arith.constant 1 : i32
      %add3A_467 = arith.addi %mul3A_194, %add3A_466 : i32
      %ge3A = arith.constant 2 : i32
      %ge3A_468 = arith.cmpi sge, %add3A_467, %ge3A : i32
      %lt3A = arith.constant 32 : i32
      %lt3A_469 = arith.cmpi slt, %add3A_467, %lt3A : i32
      %and3A = arith.andi %ge3A_468, %lt3A_469 : i1
      %convert_element_type3A = arith.extui %and3A : i1 to i32
      %cond3A = arith.constant 0 : i32
      %cond3A_470 = arith.cmpi ne, %convert_element_type3A, %cond3A : i32
      scf.if %cond3A_470 {
        %dma_wait3A_756 = arith.constant 0 : i32
        %dma_wait3A_757 = arith.constant 0 : i32
        %dma_wait3A_758 = tpu.memref_slice %arg4[%dma_wait3A_756, %dma_wait3A_757] : memref<425984x128xf32, #tpu.memory_space<hbm>> -> memref<416x128xf32, #tpu.memory_space<hbm>>
        %dma_wait3A_759 = arith.constant 0 : i32
        %dma_wait3A_760 = arith.constant 0 : i32
        %dma_wait3A_761 = tpu.memref_slice %arg4[%dma_wait3A_759, %dma_wait3A_760] : memref<425984x128xf32, #tpu.memory_space<hbm>> -> memref<416x128xf32, #tpu.memory_space<hbm>>
        tpu.wait_dma2 semaphore(%arg10 : memref<!tpu.dma_semaphore, #tpu.memory_space<semaphore_mem>>) src(%dma_wait3A_761 : memref<416x128xf32, #tpu.memory_space<hbm>>) dst(%dma_wait3A_758 : memref<416x128xf32, #tpu.memory_space<hbm>>)
        %mul3A_762 = arith.constant 16 : i32
        %mul3A_763 = arith.muli %add3A_467, %mul3A_762 : i32
        %add3A_764 = arith.addi %mul3A_154, %mul3A_763 : i32
        %multiple_of3A_765 = tpu.assume_multiple %add3A_764, 16 : i32
        %dma_start3A_766 = arith.constant 0 : i32
        %dma_start3A_767 = arith.constant 0 : i32
        %dma_start3A_768 = tpu.memref_slice %arg6[%arg1, %scan3A_175, %dma_start3A_766, %dma_start3A_767] : memref<16x2x16x3328xf32, #tpu.memory_space<vmem_shared>> -> memref<1x1x16x3328xf32, #tpu.memory_space<vmem_shared>>
        %dma_start3A_769 = tpu.memref_squeeze %dma_start3A_768 : memref<1x1x16x3328xf32, #tpu.memory_space<vmem_shared>> -> memref<16x3328xf32, #tpu.memory_space<vmem_shared>>
        %dma_start3A_770 = arith.constant 0 : i32
        %dma_start3A_771 = tpu.memref_slice %arg2[%multiple_of3A_765, %dma_start3A_770] : memref<16384x3328xf32, #tpu.memory_space<hbm>> -> memref<16x3328xf32, #tpu.memory_space<hbm>>
        tpu.enqueue_dma source(%dma_start3A_771 : memref<16x3328xf32, #tpu.memory_space<hbm>>) target(%dma_start3A_769 : memref<16x3328xf32, #tpu.memory_space<vmem_shared>>) target_semaphore(%arg8 : memref<!tpu.dma_semaphore, #tpu.memory_space<semaphore_mem>>)
      } else {
      }
      %mul3A_471 = arith.constant 2 : i32
      %mul3A_472 = arith.muli %scan3A_192, %mul3A_471 : i32
      %add3A_473 = arith.constant 1 : i32
      %add3A_474 = arith.addi %mul3A_472, %add3A_473 : i32
      %mul3A_475 = arith.constant 16 : i32
      %mul3A_476 = arith.muli %add3A_474, %mul3A_475 : i32
      %add3A_477 = arith.addi %mul3A_154, %mul3A_476 : i32
      %multiple_of3A_478 = tpu.assume_multiple %add3A_477, 16 : i32
      %dma_wait3A_479 = arith.constant 0 : i32
      %dma_wait3A_480 = arith.constant 0 : i32
      %dma_wait3A_481 = tpu.memref_slice %arg6[%arg1, %scan3A_175, %dma_wait3A_479, %dma_wait3A_480] : memref<16x2x16x3328xf32, #tpu.memory_space<vmem_shared>> -> memref<1x1x16x3328xf32, #tpu.memory_space<vmem_shared>>
      %dma_wait3A_482 = tpu.memref_squeeze %dma_wait3A_481 : memref<1x1x16x3328xf32, #tpu.memory_space<vmem_shared>> -> memref<16x3328xf32, #tpu.memory_space<vmem_shared>>
      %dma_wait3A_483 = arith.constant 0 : i32
      %dma_wait3A_484 = arith.constant 0 : i32
      %dma_wait3A_485 = tpu.memref_slice %arg2[%dma_wait3A_483, %dma_wait3A_484] : memref<16384x3328xf32, #tpu.memory_space<hbm>> -> memref<16x3328xf32, #tpu.memory_space<hbm>>
      tpu.wait_dma2 semaphore(%arg8 : memref<!tpu.dma_semaphore, #tpu.memory_space<semaphore_mem>>) src(%dma_wait3A_485 : memref<16x3328xf32, #tpu.memory_space<hbm>>) dst(%dma_wait3A_482 : memref<16x3328xf32, #tpu.memory_space<vmem_shared>>)
      %add3A_486 = arith.constant 0 : i32
      %add3A_487 = arith.addi %add3A_486, %multiple_of3A_478 : i32
      %dma_start3A_488 = arith.constant 0 : i32
      %dma_start3A_489 = tpu.memref_slice %arg4[%add3A_487, %dma_start3A_488] : memref<425984x128xf32, #tpu.memory_space<hbm>> -> memref<16x128xf32, #tpu.memory_space<hbm>>
      %dma_start3A_490 = arith.constant 0 : i32
      %dma_start3A_491 = arith.constant 0 : i32
      %dma_start3A_492 = tpu.memref_slice %arg6[%arg1, %scan3A_175, %dma_start3A_490, %dma_start3A_491] : memref<16x2x16x3328xf32, #tpu.memory_space<vmem_shared>> -> memref<1x1x16x3328xf32, #tpu.memory_space<vmem_shared>>
      %dma_start3A_493 = tpu.memref_squeeze %dma_start3A_492 : memref<1x1x16x3328xf32, #tpu.memory_space<vmem_shared>> -> memref<16x3328xf32, #tpu.memory_space<vmem_shared>>
      %dma_start3A_494 = arith.constant 0 : i32
      %dma_start3A_495 = tpu.memref_slice %dma_start3A_493[%dma_start3A_494, %multiple_of3A] : memref<16x3328xf32, #tpu.memory_space<vmem_shared>> -> memref<16x128xf32, #tpu.memory_space<vmem_shared>>
      tpu.enqueue_dma source(%dma_start3A_495 : memref<16x128xf32, #tpu.memory_space<vmem_shared>>) target(%dma_start3A_489 : memref<16x128xf32, #tpu.memory_space<hbm>>) target_semaphore(%arg10 : memref<!tpu.dma_semaphore, #tpu.memory_space<semaphore_mem>>)
      %add3A_496 = arith.constant 16384 : i32
      %add3A_497 = arith.addi %add3A_496, %multiple_of3A_478 : i32
      %dma_start3A_498 = arith.constant 0 : i32
      %dma_start3A_499 = tpu.memref_slice %arg4[%add3A_497, %dma_start3A_498] : memref<425984x128xf32, #tpu.memory_space<hbm>> -> memref<16x128xf32, #tpu.memory_space<hbm>>
      %dma_start3A_500 = arith.constant 0 : i32
      %dma_start3A_501 = arith.constant 0 : i32
      %dma_start3A_502 = tpu.memref_slice %arg6[%arg1, %scan3A_175, %dma_start3A_500, %dma_start3A_501] : memref<16x2x16x3328xf32, #tpu.memory_space<vmem_shared>> -> memref<1x1x16x3328xf32, #tpu.memory_space<vmem_shared>>
      %dma_start3A_503 = tpu.memref_squeeze %dma_start3A_502 : memref<1x1x16x3328xf32, #tpu.memory_space<vmem_shared>> -> memref<16x3328xf32, #tpu.memory_space<vmem_shared>>
      %dma_start3A_504 = arith.constant 0 : i32
      %dma_start3A_505 = tpu.memref_slice %dma_start3A_503[%dma_start3A_504, %multiple_of3A_8] : memref<16x3328xf32, #tpu.memory_space<vmem_shared>> -> memref<16x128xf32, #tpu.memory_space<vmem_shared>>
      tpu.enqueue_dma source(%dma_start3A_505 : memref<16x128xf32, #tpu.memory_space<vmem_shared>>) target(%dma_start3A_499 : memref<16x128xf32, #tpu.memory_space<hbm>>) target_semaphore(%arg10 : memref<!tpu.dma_semaphore, #tpu.memory_space<semaphore_mem>>)
      %add3A_506 = arith.constant 32768 : i32
      %add3A_507 = arith.addi %add3A_506, %multiple_of3A_478 : i32
      %dma_start3A_508 = arith.constant 0 : i32
      %dma_start3A_509 = tpu.memref_slice %arg4[%add3A_507, %dma_start3A_508] : memref<425984x128xf32, #tpu.memory_space<hbm>> -> memref<16x128xf32, #tpu.memory_space<hbm>>
      %dma_start3A_510 = arith.constant 0 : i32
      %dma_start3A_511 = arith.constant 0 : i32
      %dma_start3A_512 = tpu.memref_slice %arg6[%arg1, %scan3A_175, %dma_start3A_510, %dma_start3A_511] : memref<16x2x16x3328xf32, #tpu.memory_space<vmem_shared>> -> memref<1x1x16x3328xf32, #tpu.memory_space<vmem_shared>>
      %dma_start3A_513 = tpu.memref_squeeze %dma_start3A_512 : memref<1x1x16x3328xf32, #tpu.memory_space<vmem_shared>> -> memref<16x3328xf32, #tpu.memory_space<vmem_shared>>
      %dma_start3A_514 = arith.constant 0 : i32
      %dma_start3A_515 = tpu.memref_slice %dma_start3A_513[%dma_start3A_514, %multiple_of3A_14] : memref<16x3328xf32, #tpu.memory_space<vmem_shared>> -> memref<16x128xf32, #tpu.memory_space<vmem_shared>>
      tpu.enqueue_dma source(%dma_start3A_515 : memref<16x128xf32, #tpu.memory_space<vmem_shared>>) target(%dma_start3A_509 : memref<16x128xf32, #tpu.memory_space<hbm>>) target_semaphore(%arg10 : memref<!tpu.dma_semaphore, #tpu.memory_space<semaphore_mem>>)
      %add3A_516 = arith.constant 49152 : i32
      %add3A_517 = arith.addi %add3A_516, %multiple_of3A_478 : i32
      %dma_start3A_518 = arith.constant 0 : i32
      %dma_start3A_519 = tpu.memref_slice %arg4[%add3A_517, %dma_start3A_518] : memref<425984x128xf32, #tpu.memory_space<hbm>> -> memref<16x128xf32, #tpu.memory_space<hbm>>
      %dma_start3A_520 = arith.constant 0 : i32
      %dma_start3A_521 = arith.constant 0 : i32
      %dma_start3A_522 = tpu.memref_slice %arg6[%arg1, %scan3A_175, %dma_start3A_520, %dma_start3A_521] : memref<16x2x16x3328xf32, #tpu.memory_space<vmem_shared>> -> memref<1x1x16x3328xf32, #tpu.memory_space<vmem_shared>>
      %dma_start3A_523 = tpu.memref_squeeze %dma_start3A_522 : memref<1x1x16x3328xf32, #tpu.memory_space<vmem_shared>> -> memref<16x3328xf32, #tpu.memory_space<vmem_shared>>
      %dma_start3A_524 = arith.constant 0 : i32
      %dma_start3A_525 = tpu.memref_slice %dma_start3A_523[%dma_start3A_524, %multiple_of3A_20] : memref<16x3328xf32, #tpu.memory_space<vmem_shared>> -> memref<16x128xf32, #tpu.memory_space<vmem_shared>>
      tpu.enqueue_dma source(%dma_start3A_525 : memref<16x128xf32, #tpu.memory_space<vmem_shared>>) target(%dma_start3A_519 : memref<16x128xf32, #tpu.memory_space<hbm>>) target_semaphore(%arg10 : memref<!tpu.dma_semaphore, #tpu.memory_space<semaphore_mem>>)
      %add3A_526 = arith.constant 65536 : i32
      %add3A_527 = arith.addi %add3A_526, %multiple_of3A_478 : i32
      %dma_start3A_528 = arith.constant 0 : i32
      %dma_start3A_529 = tpu.memref_slice %arg4[%add3A_527, %dma_start3A_528] : memref<425984x128xf32, #tpu.memory_space<hbm>> -> memref<16x128xf32, #tpu.memory_space<hbm>>
      %dma_start3A_530 = arith.constant 0 : i32
      %dma_start3A_531 = arith.constant 0 : i32
      %dma_start3A_532 = tpu.memref_slice %arg6[%arg1, %scan3A_175, %dma_start3A_530, %dma_start3A_531] : memref<16x2x16x3328xf32, #tpu.memory_space<vmem_shared>> -> memref<1x1x16x3328xf32, #tpu.memory_space<vmem_shared>>
      %dma_start3A_533 = tpu.memref_squeeze %dma_start3A_532 : memref<1x1x16x3328xf32, #tpu.memory_space<vmem_shared>> -> memref<16x3328xf32, #tpu.memory_space<vmem_shared>>
      %dma_start3A_534 = arith.constant 0 : i32
      %dma_start3A_535 = tpu.memref_slice %dma_start3A_533[%dma_start3A_534, %multiple_of3A_26] : memref<16x3328xf32, #tpu.memory_space<vmem_shared>> -> memref<16x128xf32, #tpu.memory_space<vmem_shared>>
      tpu.enqueue_dma source(%dma_start3A_535 : memref<16x128xf32, #tpu.memory_space<vmem_shared>>) target(%dma_start3A_529 : memref<16x128xf32, #tpu.memory_space<hbm>>) target_semaphore(%arg10 : memref<!tpu.dma_semaphore, #tpu.memory_space<semaphore_mem>>)
      %add3A_536 = arith.constant 81920 : i32
      %add3A_537 = arith.addi %add3A_536, %multiple_of3A_478 : i32
      %dma_start3A_538 = arith.constant 0 : i32
      %dma_start3A_539 = tpu.memref_slice %arg4[%add3A_537, %dma_start3A_538] : memref<425984x128xf32, #tpu.memory_space<hbm>> -> memref<16x128xf32, #tpu.memory_space<hbm>>
      %dma_start3A_540 = arith.constant 0 : i32
      %dma_start3A_541 = arith.constant 0 : i32
      %dma_start3A_542 = tpu.memref_slice %arg6[%arg1, %scan3A_175, %dma_start3A_540, %dma_start3A_541] : memref<16x2x16x3328xf32, #tpu.memory_space<vmem_shared>> -> memref<1x1x16x3328xf32, #tpu.memory_space<vmem_shared>>
      %dma_start3A_543 = tpu.memref_squeeze %dma_start3A_542 : memref<1x1x16x3328xf32, #tpu.memory_space<vmem_shared>> -> memref<16x3328xf32, #tpu.memory_space<vmem_shared>>
      %dma_start3A_544 = arith.constant 0 : i32
      %dma_start3A_545 = tpu.memref_slice %dma_start3A_543[%dma_start3A_544, %multiple_of3A_32] : memref<16x3328xf32, #tpu.memory_space<vmem_shared>> -> memref<16x128xf32, #tpu.memory_space<vmem_shared>>
      tpu.enqueue_dma source(%dma_start3A_545 : memref<16x128xf32, #tpu.memory_space<vmem_shared>>) target(%dma_start3A_539 : memref<16x128xf32, #tpu.memory_space<hbm>>) target_semaphore(%arg10 : memref<!tpu.dma_semaphore, #tpu.memory_space<semaphore_mem>>)
      %add3A_546 = arith.constant 98304 : i32
      %add3A_547 = arith.addi %add3A_546, %multiple_of3A_478 : i32
      %dma_start3A_548 = arith.constant 0 : i32
      %dma_start3A_549 = tpu.memref_slice %arg4[%add3A_547, %dma_start3A_548] : memref<425984x128xf32, #tpu.memory_space<hbm>> -> memref<16x128xf32, #tpu.memory_space<hbm>>
      %dma_start3A_550 = arith.constant 0 : i32
      %dma_start3A_551 = arith.constant 0 : i32
      %dma_start3A_552 = tpu.memref_slice %arg6[%arg1, %scan3A_175, %dma_start3A_550, %dma_start3A_551] : memref<16x2x16x3328xf32, #tpu.memory_space<vmem_shared>> -> memref<1x1x16x3328xf32, #tpu.memory_space<vmem_shared>>
      %dma_start3A_553 = tpu.memref_squeeze %dma_start3A_552 : memref<1x1x16x3328xf32, #tpu.memory_space<vmem_shared>> -> memref<16x3328xf32, #tpu.memory_space<vmem_shared>>
      %dma_start3A_554 = arith.constant 0 : i32
      %dma_start3A_555 = tpu.memref_slice %dma_start3A_553[%dma_start3A_554, %multiple_of3A_38] : memref<16x3328xf32, #tpu.memory_space<vmem_shared>> -> memref<16x128xf32, #tpu.memory_space<vmem_shared>>
      tpu.enqueue_dma source(%dma_start3A_555 : memref<16x128xf32, #tpu.memory_space<vmem_shared>>) target(%dma_start3A_549 : memref<16x128xf32, #tpu.memory_space<hbm>>) target_semaphore(%arg10 : memref<!tpu.dma_semaphore, #tpu.memory_space<semaphore_mem>>)
      %add3A_556 = arith.constant 114688 : i32
      %add3A_557 = arith.addi %add3A_556, %multiple_of3A_478 : i32
      %dma_start3A_558 = arith.constant 0 : i32
      %dma_start3A_559 = tpu.memref_slice %arg4[%add3A_557, %dma_start3A_558] : memref<425984x128xf32, #tpu.memory_space<hbm>> -> memref<16x128xf32, #tpu.memory_space<hbm>>
      %dma_start3A_560 = arith.constant 0 : i32
      %dma_start3A_561 = arith.constant 0 : i32
      %dma_start3A_562 = tpu.memref_slice %arg6[%arg1, %scan3A_175, %dma_start3A_560, %dma_start3A_561] : memref<16x2x16x3328xf32, #tpu.memory_space<vmem_shared>> -> memref<1x1x16x3328xf32, #tpu.memory_space<vmem_shared>>
      %dma_start3A_563 = tpu.memref_squeeze %dma_start3A_562 : memref<1x1x16x3328xf32, #tpu.memory_space<vmem_shared>> -> memref<16x3328xf32, #tpu.memory_space<vmem_shared>>
      %dma_start3A_564 = arith.constant 0 : i32
      %dma_start3A_565 = tpu.memref_slice %dma_start3A_563[%dma_start3A_564, %multiple_of3A_44] : memref<16x3328xf32, #tpu.memory_space<vmem_shared>> -> memref<16x128xf32, #tpu.memory_space<vmem_shared>>
      tpu.enqueue_dma source(%dma_start3A_565 : memref<16x128xf32, #tpu.memory_space<vmem_shared>>) target(%dma_start3A_559 : memref<16x128xf32, #tpu.memory_space<hbm>>) target_semaphore(%arg10 : memref<!tpu.dma_semaphore, #tpu.memory_space<semaphore_mem>>)
      %add3A_566 = arith.constant 131072 : i32
      %add3A_567 = arith.addi %add3A_566, %multiple_of3A_478 : i32
      %dma_start3A_568 = arith.constant 0 : i32
      %dma_start3A_569 = tpu.memref_slice %arg4[%add3A_567, %dma_start3A_568] : memref<425984x128xf32, #tpu.memory_space<hbm>> -> memref<16x128xf32, #tpu.memory_space<hbm>>
      %dma_start3A_570 = arith.constant 0 : i32
      %dma_start3A_571 = arith.constant 0 : i32
      %dma_start3A_572 = tpu.memref_slice %arg6[%arg1, %scan3A_175, %dma_start3A_570, %dma_start3A_571] : memref<16x2x16x3328xf32, #tpu.memory_space<vmem_shared>> -> memref<1x1x16x3328xf32, #tpu.memory_space<vmem_shared>>
      %dma_start3A_573 = tpu.memref_squeeze %dma_start3A_572 : memref<1x1x16x3328xf32, #tpu.memory_space<vmem_shared>> -> memref<16x3328xf32, #tpu.memory_space<vmem_shared>>
      %dma_start3A_574 = arith.constant 0 : i32
      %dma_start3A_575 = tpu.memref_slice %dma_start3A_573[%dma_start3A_574, %multiple_of3A_50] : memref<16x3328xf32, #tpu.memory_space<vmem_shared>> -> memref<16x128xf32, #tpu.memory_space<vmem_shared>>
      tpu.enqueue_dma source(%dma_start3A_575 : memref<16x128xf32, #tpu.memory_space<vmem_shared>>) target(%dma_start3A_569 : memref<16x128xf32, #tpu.memory_space<hbm>>) target_semaphore(%arg10 : memref<!tpu.dma_semaphore, #tpu.memory_space<semaphore_mem>>)
      %add3A_576 = arith.constant 147456 : i32
      %add3A_577 = arith.addi %add3A_576, %multiple_of3A_478 : i32
      %dma_start3A_578 = arith.constant 0 : i32
      %dma_start3A_579 = tpu.memref_slice %arg4[%add3A_577, %dma_start3A_578] : memref<425984x128xf32, #tpu.memory_space<hbm>> -> memref<16x128xf32, #tpu.memory_space<hbm>>
      %dma_start3A_580 = arith.constant 0 : i32
      %dma_start3A_581 = arith.constant 0 : i32
      %dma_start3A_582 = tpu.memref_slice %arg6[%arg1, %scan3A_175, %dma_start3A_580, %dma_start3A_581] : memref<16x2x16x3328xf32, #tpu.memory_space<vmem_shared>> -> memref<1x1x16x3328xf32, #tpu.memory_space<vmem_shared>>
      %dma_start3A_583 = tpu.memref_squeeze %dma_start3A_582 : memref<1x1x16x3328xf32, #tpu.memory_space<vmem_shared>> -> memref<16x3328xf32, #tpu.memory_space<vmem_shared>>
      %dma_start3A_584 = arith.constant 0 : i32
      %dma_start3A_585 = tpu.memref_slice %dma_start3A_583[%dma_start3A_584, %multiple_of3A_56] : memref<16x3328xf32, #tpu.memory_space<vmem_shared>> -> memref<16x128xf32, #tpu.memory_space<vmem_shared>>
      tpu.enqueue_dma source(%dma_start3A_585 : memref<16x128xf32, #tpu.memory_space<vmem_shared>>) target(%dma_start3A_579 : memref<16x128xf32, #tpu.memory_space<hbm>>) target_semaphore(%arg10 : memref<!tpu.dma_semaphore, #tpu.memory_space<semaphore_mem>>)
      %add3A_586 = arith.constant 163840 : i32
      %add3A_587 = arith.addi %add3A_586, %multiple_of3A_478 : i32
      %dma_start3A_588 = arith.constant 0 : i32
      %dma_start3A_589 = tpu.memref_slice %arg4[%add3A_587, %dma_start3A_588] : memref<425984x128xf32, #tpu.memory_space<hbm>> -> memref<16x128xf32, #tpu.memory_space<hbm>>
      %dma_start3A_590 = arith.constant 0 : i32
      %dma_start3A_591 = arith.constant 0 : i32
      %dma_start3A_592 = tpu.memref_slice %arg6[%arg1, %scan3A_175, %dma_start3A_590, %dma_start3A_591] : memref<16x2x16x3328xf32, #tpu.memory_space<vmem_shared>> -> memref<1x1x16x3328xf32, #tpu.memory_space<vmem_shared>>
      %dma_start3A_593 = tpu.memref_squeeze %dma_start3A_592 : memref<1x1x16x3328xf32, #tpu.memory_space<vmem_shared>> -> memref<16x3328xf32, #tpu.memory_space<vmem_shared>>
      %dma_start3A_594 = arith.constant 0 : i32
      %dma_start3A_595 = tpu.memref_slice %dma_start3A_593[%dma_start3A_594, %multiple_of3A_62] : memref<16x3328xf32, #tpu.memory_space<vmem_shared>> -> memref<16x128xf32, #tpu.memory_space<vmem_shared>>
      tpu.enqueue_dma source(%dma_start3A_595 : memref<16x128xf32, #tpu.memory_space<vmem_shared>>) target(%dma_start3A_589 : memref<16x128xf32, #tpu.memory_space<hbm>>) target_semaphore(%arg10 : memref<!tpu.dma_semaphore, #tpu.memory_space<semaphore_mem>>)
      %add3A_596 = arith.constant 180224 : i32
      %add3A_597 = arith.addi %add3A_596, %multiple_of3A_478 : i32
      %dma_start3A_598 = arith.constant 0 : i32
      %dma_start3A_599 = tpu.memref_slice %arg4[%add3A_597, %dma_start3A_598] : memref<425984x128xf32, #tpu.memory_space<hbm>> -> memref<16x128xf32, #tpu.memory_space<hbm>>
      %dma_start3A_600 = arith.constant 0 : i32
      %dma_start3A_601 = arith.constant 0 : i32
      %dma_start3A_602 = tpu.memref_slice %arg6[%arg1, %scan3A_175, %dma_start3A_600, %dma_start3A_601] : memref<16x2x16x3328xf32, #tpu.memory_space<vmem_shared>> -> memref<1x1x16x3328xf32, #tpu.memory_space<vmem_shared>>
      %dma_start3A_603 = tpu.memref_squeeze %dma_start3A_602 : memref<1x1x16x3328xf32, #tpu.memory_space<vmem_shared>> -> memref<16x3328xf32, #tpu.memory_space<vmem_shared>>
      %dma_start3A_604 = arith.constant 0 : i32
      %dma_start3A_605 = tpu.memref_slice %dma_start3A_603[%dma_start3A_604, %multiple_of3A_68] : memref<16x3328xf32, #tpu.memory_space<vmem_shared>> -> memref<16x128xf32, #tpu.memory_space<vmem_shared>>
      tpu.enqueue_dma source(%dma_start3A_605 : memref<16x128xf32, #tpu.memory_space<vmem_shared>>) target(%dma_start3A_599 : memref<16x128xf32, #tpu.memory_space<hbm>>) target_semaphore(%arg10 : memref<!tpu.dma_semaphore, #tpu.memory_space<semaphore_mem>>)
      %add3A_606 = arith.constant 196608 : i32
      %add3A_607 = arith.addi %add3A_606, %multiple_of3A_478 : i32
      %dma_start3A_608 = arith.constant 0 : i32
      %dma_start3A_609 = tpu.memref_slice %arg4[%add3A_607, %dma_start3A_608] : memref<425984x128xf32, #tpu.memory_space<hbm>> -> memref<16x128xf32, #tpu.memory_space<hbm>>
      %dma_start3A_610 = arith.constant 0 : i32
      %dma_start3A_611 = arith.constant 0 : i32
      %dma_start3A_612 = tpu.memref_slice %arg6[%arg1, %scan3A_175, %dma_start3A_610, %dma_start3A_611] : memref<16x2x16x3328xf32, #tpu.memory_space<vmem_shared>> -> memref<1x1x16x3328xf32, #tpu.memory_space<vmem_shared>>
      %dma_start3A_613 = tpu.memref_squeeze %dma_start3A_612 : memref<1x1x16x3328xf32, #tpu.memory_space<vmem_shared>> -> memref<16x3328xf32, #tpu.memory_space<vmem_shared>>
      %dma_start3A_614 = arith.constant 0 : i32
      %dma_start3A_615 = tpu.memref_slice %dma_start3A_613[%dma_start3A_614, %multiple_of3A_74] : memref<16x3328xf32, #tpu.memory_space<vmem_shared>> -> memref<16x128xf32, #tpu.memory_space<vmem_shared>>
      tpu.enqueue_dma source(%dma_start3A_615 : memref<16x128xf32, #tpu.memory_space<vmem_shared>>) target(%dma_start3A_609 : memref<16x128xf32, #tpu.memory_space<hbm>>) target_semaphore(%arg10 : memref<!tpu.dma_semaphore, #tpu.memory_space<semaphore_mem>>)
      %add3A_616 = arith.constant 212992 : i32
      %add3A_617 = arith.addi %add3A_616, %multiple_of3A_478 : i32
      %dma_start3A_618 = arith.constant 0 : i32
      %dma_start3A_619 = tpu.memref_slice %arg4[%add3A_617, %dma_start3A_618] : memref<425984x128xf32, #tpu.memory_space<hbm>> -> memref<16x128xf32, #tpu.memory_space<hbm>>
      %dma_start3A_620 = arith.constant 0 : i32
      %dma_start3A_621 = arith.constant 0 : i32
      %dma_start3A_622 = tpu.memref_slice %arg6[%arg1, %scan3A_175, %dma_start3A_620, %dma_start3A_621] : memref<16x2x16x3328xf32, #tpu.memory_space<vmem_shared>> -> memref<1x1x16x3328xf32, #tpu.memory_space<vmem_shared>>
      %dma_start3A_623 = tpu.memref_squeeze %dma_start3A_622 : memref<1x1x16x3328xf32, #tpu.memory_space<vmem_shared>> -> memref<16x3328xf32, #tpu.memory_space<vmem_shared>>
      %dma_start3A_624 = arith.constant 0 : i32
      %dma_start3A_625 = tpu.memref_slice %dma_start3A_623[%dma_start3A_624, %multiple_of3A_80] : memref<16x3328xf32, #tpu.memory_space<vmem_shared>> -> memref<16x128xf32, #tpu.memory_space<vmem_shared>>
      tpu.enqueue_dma source(%dma_start3A_625 : memref<16x128xf32, #tpu.memory_space<vmem_shared>>) target(%dma_start3A_619 : memref<16x128xf32, #tpu.memory_space<hbm>>) target_semaphore(%arg10 : memref<!tpu.dma_semaphore, #tpu.memory_space<semaphore_mem>>)
      %add3A_626 = arith.constant 229376 : i32
      %add3A_627 = arith.addi %add3A_626, %multiple_of3A_478 : i32
      %dma_start3A_628 = arith.constant 0 : i32
      %dma_start3A_629 = tpu.memref_slice %arg4[%add3A_627, %dma_start3A_628] : memref<425984x128xf32, #tpu.memory_space<hbm>> -> memref<16x128xf32, #tpu.memory_space<hbm>>
      %dma_start3A_630 = arith.constant 0 : i32
      %dma_start3A_631 = arith.constant 0 : i32
      %dma_start3A_632 = tpu.memref_slice %arg6[%arg1, %scan3A_175, %dma_start3A_630, %dma_start3A_631] : memref<16x2x16x3328xf32, #tpu.memory_space<vmem_shared>> -> memref<1x1x16x3328xf32, #tpu.memory_space<vmem_shared>>
      %dma_start3A_633 = tpu.memref_squeeze %dma_start3A_632 : memref<1x1x16x3328xf32, #tpu.memory_space<vmem_shared>> -> memref<16x3328xf32, #tpu.memory_space<vmem_shared>>
      %dma_start3A_634 = arith.constant 0 : i32
      %dma_start3A_635 = tpu.memref_slice %dma_start3A_633[%dma_start3A_634, %multiple_of3A_86] : memref<16x3328xf32, #tpu.memory_space<vmem_shared>> -> memref<16x128xf32, #tpu.memory_space<vmem_shared>>
      tpu.enqueue_dma source(%dma_start3A_635 : memref<16x128xf32, #tpu.memory_space<vmem_shared>>) target(%dma_start3A_629 : memref<16x128xf32, #tpu.memory_space<hbm>>) target_semaphore(%arg10 : memref<!tpu.dma_semaphore, #tpu.memory_space<semaphore_mem>>)
      %add3A_636 = arith.constant 245760 : i32
      %add3A_637 = arith.addi %add3A_636, %multiple_of3A_478 : i32
      %dma_start3A_638 = arith.constant 0 : i32
      %dma_start3A_639 = tpu.memref_slice %arg4[%add3A_637, %dma_start3A_638] : memref<425984x128xf32, #tpu.memory_space<hbm>> -> memref<16x128xf32, #tpu.memory_space<hbm>>
      %dma_start3A_640 = arith.constant 0 : i32
      %dma_start3A_641 = arith.constant 0 : i32
      %dma_start3A_642 = tpu.memref_slice %arg6[%arg1, %scan3A_175, %dma_start3A_640, %dma_start3A_641] : memref<16x2x16x3328xf32, #tpu.memory_space<vmem_shared>> -> memref<1x1x16x3328xf32, #tpu.memory_space<vmem_shared>>
      %dma_start3A_643 = tpu.memref_squeeze %dma_start3A_642 : memref<1x1x16x3328xf32, #tpu.memory_space<vmem_shared>> -> memref<16x3328xf32, #tpu.memory_space<vmem_shared>>
      %dma_start3A_644 = arith.constant 0 : i32
      %dma_start3A_645 = tpu.memref_slice %dma_start3A_643[%dma_start3A_644, %multiple_of3A_92] : memref<16x3328xf32, #tpu.memory_space<vmem_shared>> -> memref<16x128xf32, #tpu.memory_space<vmem_shared>>
      tpu.enqueue_dma source(%dma_start3A_645 : memref<16x128xf32, #tpu.memory_space<vmem_shared>>) target(%dma_start3A_639 : memref<16x128xf32, #tpu.memory_space<hbm>>) target_semaphore(%arg10 : memref<!tpu.dma_semaphore, #tpu.memory_space<semaphore_mem>>)
      %add3A_646 = arith.constant 262144 : i32
      %add3A_647 = arith.addi %add3A_646, %multiple_of3A_478 : i32
      %dma_start3A_648 = arith.constant 0 : i32
      %dma_start3A_649 = tpu.memref_slice %arg4[%add3A_647, %dma_start3A_648] : memref<425984x128xf32, #tpu.memory_space<hbm>> -> memref<16x128xf32, #tpu.memory_space<hbm>>
      %dma_start3A_650 = arith.constant 0 : i32
      %dma_start3A_651 = arith.constant 0 : i32
      %dma_start3A_652 = tpu.memref_slice %arg6[%arg1, %scan3A_175, %dma_start3A_650, %dma_start3A_651] : memref<16x2x16x3328xf32, #tpu.memory_space<vmem_shared>> -> memref<1x1x16x3328xf32, #tpu.memory_space<vmem_shared>>
      %dma_start3A_653 = tpu.memref_squeeze %dma_start3A_652 : memref<1x1x16x3328xf32, #tpu.memory_space<vmem_shared>> -> memref<16x3328xf32, #tpu.memory_space<vmem_shared>>
      %dma_start3A_654 = arith.constant 0 : i32
      %dma_start3A_655 = tpu.memref_slice %dma_start3A_653[%dma_start3A_654, %multiple_of3A_98] : memref<16x3328xf32, #tpu.memory_space<vmem_shared>> -> memref<16x128xf32, #tpu.memory_space<vmem_shared>>
      tpu.enqueue_dma source(%dma_start3A_655 : memref<16x128xf32, #tpu.memory_space<vmem_shared>>) target(%dma_start3A_649 : memref<16x128xf32, #tpu.memory_space<hbm>>) target_semaphore(%arg10 : memref<!tpu.dma_semaphore, #tpu.memory_space<semaphore_mem>>)
      %add3A_656 = arith.constant 278528 : i32
      %add3A_657 = arith.addi %add3A_656, %multiple_of3A_478 : i32
      %dma_start3A_658 = arith.constant 0 : i32
      %dma_start3A_659 = tpu.memref_slice %arg4[%add3A_657, %dma_start3A_658] : memref<425984x128xf32, #tpu.memory_space<hbm>> -> memref<16x128xf32, #tpu.memory_space<hbm>>
      %dma_start3A_660 = arith.constant 0 : i32
      %dma_start3A_661 = arith.constant 0 : i32
      %dma_start3A_662 = tpu.memref_slice %arg6[%arg1, %scan3A_175, %dma_start3A_660, %dma_start3A_661] : memref<16x2x16x3328xf32, #tpu.memory_space<vmem_shared>> -> memref<1x1x16x3328xf32, #tpu.memory_space<vmem_shared>>
      %dma_start3A_663 = tpu.memref_squeeze %dma_start3A_662 : memref<1x1x16x3328xf32, #tpu.memory_space<vmem_shared>> -> memref<16x3328xf32, #tpu.memory_space<vmem_shared>>
      %dma_start3A_664 = arith.constant 0 : i32
      %dma_start3A_665 = tpu.memref_slice %dma_start3A_663[%dma_start3A_664, %multiple_of3A_104] : memref<16x3328xf32, #tpu.memory_space<vmem_shared>> -> memref<16x128xf32, #tpu.memory_space<vmem_shared>>
      tpu.enqueue_dma source(%dma_start3A_665 : memref<16x128xf32, #tpu.memory_space<vmem_shared>>) target(%dma_start3A_659 : memref<16x128xf32, #tpu.memory_space<hbm>>) target_semaphore(%arg10 : memref<!tpu.dma_semaphore, #tpu.memory_space<semaphore_mem>>)
      %add3A_666 = arith.constant 294912 : i32
      %add3A_667 = arith.addi %add3A_666, %multiple_of3A_478 : i32
      %dma_start3A_668 = arith.constant 0 : i32
      %dma_start3A_669 = tpu.memref_slice %arg4[%add3A_667, %dma_start3A_668] : memref<425984x128xf32, #tpu.memory_space<hbm>> -> memref<16x128xf32, #tpu.memory_space<hbm>>
      %dma_start3A_670 = arith.constant 0 : i32
      %dma_start3A_671 = arith.constant 0 : i32
      %dma_start3A_672 = tpu.memref_slice %arg6[%arg1, %scan3A_175, %dma_start3A_670, %dma_start3A_671] : memref<16x2x16x3328xf32, #tpu.memory_space<vmem_shared>> -> memref<1x1x16x3328xf32, #tpu.memory_space<vmem_shared>>
      %dma_start3A_673 = tpu.memref_squeeze %dma_start3A_672 : memref<1x1x16x3328xf32, #tpu.memory_space<vmem_shared>> -> memref<16x3328xf32, #tpu.memory_space<vmem_shared>>
      %dma_start3A_674 = arith.constant 0 : i32
      %dma_start3A_675 = tpu.memref_slice %dma_start3A_673[%dma_start3A_674, %multiple_of3A_110] : memref<16x3328xf32, #tpu.memory_space<vmem_shared>> -> memref<16x128xf32, #tpu.memory_space<vmem_shared>>
      tpu.enqueue_dma source(%dma_start3A_675 : memref<16x128xf32, #tpu.memory_space<vmem_shared>>) target(%dma_start3A_669 : memref<16x128xf32, #tpu.memory_space<hbm>>) target_semaphore(%arg10 : memref<!tpu.dma_semaphore, #tpu.memory_space<semaphore_mem>>)
      %add3A_676 = arith.constant 311296 : i32
      %add3A_677 = arith.addi %add3A_676, %multiple_of3A_478 : i32
      %dma_start3A_678 = arith.constant 0 : i32
      %dma_start3A_679 = tpu.memref_slice %arg4[%add3A_677, %dma_start3A_678] : memref<425984x128xf32, #tpu.memory_space<hbm>> -> memref<16x128xf32, #tpu.memory_space<hbm>>
      %dma_start3A_680 = arith.constant 0 : i32
      %dma_start3A_681 = arith.constant 0 : i32
      %dma_start3A_682 = tpu.memref_slice %arg6[%arg1, %scan3A_175, %dma_start3A_680, %dma_start3A_681] : memref<16x2x16x3328xf32, #tpu.memory_space<vmem_shared>> -> memref<1x1x16x3328xf32, #tpu.memory_space<vmem_shared>>
      %dma_start3A_683 = tpu.memref_squeeze %dma_start3A_682 : memref<1x1x16x3328xf32, #tpu.memory_space<vmem_shared>> -> memref<16x3328xf32, #tpu.memory_space<vmem_shared>>
      %dma_start3A_684 = arith.constant 0 : i32
      %dma_start3A_685 = tpu.memref_slice %dma_start3A_683[%dma_start3A_684, %multiple_of3A_116] : memref<16x3328xf32, #tpu.memory_space<vmem_shared>> -> memref<16x128xf32, #tpu.memory_space<vmem_shared>>
      tpu.enqueue_dma source(%dma_start3A_685 : memref<16x128xf32, #tpu.memory_space<vmem_shared>>) target(%dma_start3A_679 : memref<16x128xf32, #tpu.memory_space<hbm>>) target_semaphore(%arg10 : memref<!tpu.dma_semaphore, #tpu.memory_space<semaphore_mem>>)
      %add3A_686 = arith.constant 327680 : i32
      %add3A_687 = arith.addi %add3A_686, %multiple_of3A_478 : i32
      %dma_start3A_688 = arith.constant 0 : i32
      %dma_start3A_689 = tpu.memref_slice %arg4[%add3A_687, %dma_start3A_688] : memref<425984x128xf32, #tpu.memory_space<hbm>> -> memref<16x128xf32, #tpu.memory_space<hbm>>
      %dma_start3A_690 = arith.constant 0 : i32
      %dma_start3A_691 = arith.constant 0 : i32
      %dma_start3A_692 = tpu.memref_slice %arg6[%arg1, %scan3A_175, %dma_start3A_690, %dma_start3A_691] : memref<16x2x16x3328xf32, #tpu.memory_space<vmem_shared>> -> memref<1x1x16x3328xf32, #tpu.memory_space<vmem_shared>>
      %dma_start3A_693 = tpu.memref_squeeze %dma_start3A_692 : memref<1x1x16x3328xf32, #tpu.memory_space<vmem_shared>> -> memref<16x3328xf32, #tpu.memory_space<vmem_shared>>
      %dma_start3A_694 = arith.constant 0 : i32
      %dma_start3A_695 = tpu.memref_slice %dma_start3A_693[%dma_start3A_694, %multiple_of3A_122] : memref<16x3328xf32, #tpu.memory_space<vmem_shared>> -> memref<16x128xf32, #tpu.memory_space<vmem_shared>>
      tpu.enqueue_dma source(%dma_start3A_695 : memref<16x128xf32, #tpu.memory_space<vmem_shared>>) target(%dma_start3A_689 : memref<16x128xf32, #tpu.memory_space<hbm>>) target_semaphore(%arg10 : memref<!tpu.dma_semaphore, #tpu.memory_space<semaphore_mem>>)
      %add3A_696 = arith.constant 344064 : i32
      %add3A_697 = arith.addi %add3A_696, %multiple_of3A_478 : i32
      %dma_start3A_698 = arith.constant 0 : i32
      %dma_start3A_699 = tpu.memref_slice %arg4[%add3A_697, %dma_start3A_698] : memref<425984x128xf32, #tpu.memory_space<hbm>> -> memref<16x128xf32, #tpu.memory_space<hbm>>
      %dma_start3A_700 = arith.constant 0 : i32
      %dma_start3A_701 = arith.constant 0 : i32
      %dma_start3A_702 = tpu.memref_slice %arg6[%arg1, %scan3A_175, %dma_start3A_700, %dma_start3A_701] : memref<16x2x16x3328xf32, #tpu.memory_space<vmem_shared>> -> memref<1x1x16x3328xf32, #tpu.memory_space<vmem_shared>>
      %dma_start3A_703 = tpu.memref_squeeze %dma_start3A_702 : memref<1x1x16x3328xf32, #tpu.memory_space<vmem_shared>> -> memref<16x3328xf32, #tpu.memory_space<vmem_shared>>
      %dma_start3A_704 = arith.constant 0 : i32
      %dma_start3A_705 = tpu.memref_slice %dma_start3A_703[%dma_start3A_704, %multiple_of3A_128] : memref<16x3328xf32, #tpu.memory_space<vmem_shared>> -> memref<16x128xf32, #tpu.memory_space<vmem_shared>>
      tpu.enqueue_dma source(%dma_start3A_705 : memref<16x128xf32, #tpu.memory_space<vmem_shared>>) target(%dma_start3A_699 : memref<16x128xf32, #tpu.memory_space<hbm>>) target_semaphore(%arg10 : memref<!tpu.dma_semaphore, #tpu.memory_space<semaphore_mem>>)
      %add3A_706 = arith.constant 360448 : i32
      %add3A_707 = arith.addi %add3A_706, %multiple_of3A_478 : i32
      %dma_start3A_708 = arith.constant 0 : i32
      %dma_start3A_709 = tpu.memref_slice %arg4[%add3A_707, %dma_start3A_708] : memref<425984x128xf32, #tpu.memory_space<hbm>> -> memref<16x128xf32, #tpu.memory_space<hbm>>
      %dma_start3A_710 = arith.constant 0 : i32
      %dma_start3A_711 = arith.constant 0 : i32
      %dma_start3A_712 = tpu.memref_slice %arg6[%arg1, %scan3A_175, %dma_start3A_710, %dma_start3A_711] : memref<16x2x16x3328xf32, #tpu.memory_space<vmem_shared>> -> memref<1x1x16x3328xf32, #tpu.memory_space<vmem_shared>>
      %dma_start3A_713 = tpu.memref_squeeze %dma_start3A_712 : memref<1x1x16x3328xf32, #tpu.memory_space<vmem_shared>> -> memref<16x3328xf32, #tpu.memory_space<vmem_shared>>
      %dma_start3A_714 = arith.constant 0 : i32
      %dma_start3A_715 = tpu.memref_slice %dma_start3A_713[%dma_start3A_714, %multiple_of3A_134] : memref<16x3328xf32, #tpu.memory_space<vmem_shared>> -> memref<16x128xf32, #tpu.memory_space<vmem_shared>>
      tpu.enqueue_dma source(%dma_start3A_715 : memref<16x128xf32, #tpu.memory_space<vmem_shared>>) target(%dma_start3A_709 : memref<16x128xf32, #tpu.memory_space<hbm>>) target_semaphore(%arg10 : memref<!tpu.dma_semaphore, #tpu.memory_space<semaphore_mem>>)
      %add3A_716 = arith.constant 376832 : i32
      %add3A_717 = arith.addi %add3A_716, %multiple_of3A_478 : i32
      %dma_start3A_718 = arith.constant 0 : i32
      %dma_start3A_719 = tpu.memref_slice %arg4[%add3A_717, %dma_start3A_718] : memref<425984x128xf32, #tpu.memory_space<hbm>> -> memref<16x128xf32, #tpu.memory_space<hbm>>
      %dma_start3A_720 = arith.constant 0 : i32
      %dma_start3A_721 = arith.constant 0 : i32
      %dma_start3A_722 = tpu.memref_slice %arg6[%arg1, %scan3A_175, %dma_start3A_720, %dma_start3A_721] : memref<16x2x16x3328xf32, #tpu.memory_space<vmem_shared>> -> memref<1x1x16x3328xf32, #tpu.memory_space<vmem_shared>>
      %dma_start3A_723 = tpu.memref_squeeze %dma_start3A_722 : memref<1x1x16x3328xf32, #tpu.memory_space<vmem_shared>> -> memref<16x3328xf32, #tpu.memory_space<vmem_shared>>
      %dma_start3A_724 = arith.constant 0 : i32
      %dma_start3A_725 = tpu.memref_slice %dma_start3A_723[%dma_start3A_724, %multiple_of3A_140] : memref<16x3328xf32, #tpu.memory_space<vmem_shared>> -> memref<16x128xf32, #tpu.memory_space<vmem_shared>>
      tpu.enqueue_dma source(%dma_start3A_725 : memref<16x128xf32, #tpu.memory_space<vmem_shared>>) target(%dma_start3A_719 : memref<16x128xf32, #tpu.memory_space<hbm>>) target_semaphore(%arg10 : memref<!tpu.dma_semaphore, #tpu.memory_space<semaphore_mem>>)
      %add3A_726 = arith.constant 393216 : i32
      %add3A_727 = arith.addi %add3A_726, %multiple_of3A_478 : i32
      %dma_start3A_728 = arith.constant 0 : i32
      %dma_start3A_729 = tpu.memref_slice %arg4[%add3A_727, %dma_start3A_728] : memref<425984x128xf32, #tpu.memory_space<hbm>> -> memref<16x128xf32, #tpu.memory_space<hbm>>
      %dma_start3A_730 = arith.constant 0 : i32
      %dma_start3A_731 = arith.constant 0 : i32
      %dma_start3A_732 = tpu.memref_slice %arg6[%arg1, %scan3A_175, %dma_start3A_730, %dma_start3A_731] : memref<16x2x16x3328xf32, #tpu.memory_space<vmem_shared>> -> memref<1x1x16x3328xf32, #tpu.memory_space<vmem_shared>>
      %dma_start3A_733 = tpu.memref_squeeze %dma_start3A_732 : memref<1x1x16x3328xf32, #tpu.memory_space<vmem_shared>> -> memref<16x3328xf32, #tpu.memory_space<vmem_shared>>
      %dma_start3A_734 = arith.constant 0 : i32
      %dma_start3A_735 = tpu.memref_slice %dma_start3A_733[%dma_start3A_734, %multiple_of3A_146] : memref<16x3328xf32, #tpu.memory_space<vmem_shared>> -> memref<16x128xf32, #tpu.memory_space<vmem_shared>>
      tpu.enqueue_dma source(%dma_start3A_735 : memref<16x128xf32, #tpu.memory_space<vmem_shared>>) target(%dma_start3A_729 : memref<16x128xf32, #tpu.memory_space<hbm>>) target_semaphore(%arg10 : memref<!tpu.dma_semaphore, #tpu.memory_space<semaphore_mem>>)
      %add3A_736 = arith.constant 409600 : i32
      %add3A_737 = arith.addi %add3A_736, %multiple_of3A_478 : i32
      %dma_start3A_738 = arith.constant 0 : i32
      %dma_start3A_739 = tpu.memref_slice %arg4[%add3A_737, %dma_start3A_738] : memref<425984x128xf32, #tpu.memory_space<hbm>> -> memref<16x128xf32, #tpu.memory_space<hbm>>
      %dma_start3A_740 = arith.constant 0 : i32
      %dma_start3A_741 = arith.constant 0 : i32
      %dma_start3A_742 = tpu.memref_slice %arg6[%arg1, %scan3A_175, %dma_start3A_740, %dma_start3A_741] : memref<16x2x16x3328xf32, #tpu.memory_space<vmem_shared>> -> memref<1x1x16x3328xf32, #tpu.memory_space<vmem_shared>>
      %dma_start3A_743 = tpu.memref_squeeze %dma_start3A_742 : memref<1x1x16x3328xf32, #tpu.memory_space<vmem_shared>> -> memref<16x3328xf32, #tpu.memory_space<vmem_shared>>
      %dma_start3A_744 = arith.constant 0 : i32
      %dma_start3A_745 = tpu.memref_slice %dma_start3A_743[%dma_start3A_744, %multiple_of3A_152] : memref<16x3328xf32, #tpu.memory_space<vmem_shared>> -> memref<16x128xf32, #tpu.memory_space<vmem_shared>>
      tpu.enqueue_dma source(%dma_start3A_745 : memref<16x128xf32, #tpu.memory_space<vmem_shared>>) target(%dma_start3A_739 : memref<16x128xf32, #tpu.memory_space<hbm>>) target_semaphore(%arg10 : memref<!tpu.dma_semaphore, #tpu.memory_space<semaphore_mem>>)
      %add3A_746 = arith.constant 1 : i32
      %add3A_747 = arith.addi %add3A_474, %add3A_746 : i32
      %ge3A_748 = arith.constant 2 : i32
      %ge3A_749 = arith.cmpi sge, %add3A_747, %ge3A_748 : i32
      %lt3A_750 = arith.constant 32 : i32
      %lt3A_751 = arith.cmpi slt, %add3A_747, %lt3A_750 : i32
      %and3A_752 = arith.andi %ge3A_749, %lt3A_751 : i1
      %convert_element_type3A_753 = arith.extui %and3A_752 : i1 to i32
      %cond3A_754 = arith.constant 0 : i32
      %cond3A_755 = arith.cmpi ne, %convert_element_type3A_753, %cond3A_754 : i32
      scf.if %cond3A_755 {
        %dma_wait3A_756 = arith.constant 0 : i32
        %dma_wait3A_757 = arith.constant 0 : i32
        %dma_wait3A_758 = tpu.memref_slice %arg4[%dma_wait3A_756, %dma_wait3A_757] : memref<425984x128xf32, #tpu.memory_space<hbm>> -> memref<416x128xf32, #tpu.memory_space<hbm>>
        %dma_wait3A_759 = arith.constant 0 : i32
        %dma_wait3A_760 = arith.constant 0 : i32
        %dma_wait3A_761 = tpu.memref_slice %arg4[%dma_wait3A_759, %dma_wait3A_760] : memref<425984x128xf32, #tpu.memory_space<hbm>> -> memref<416x128xf32, #tpu.memory_space<hbm>>
        tpu.wait_dma2 semaphore(%arg9 : memref<!tpu.dma_semaphore, #tpu.memory_space<semaphore_mem>>) src(%dma_wait3A_761 : memref<416x128xf32, #tpu.memory_space<hbm>>) dst(%dma_wait3A_758 : memref<416x128xf32, #tpu.memory_space<hbm>>)
        %mul3A_762 = arith.constant 16 : i32
        %mul3A_763 = arith.muli %add3A_747, %mul3A_762 : i32
        %add3A_764 = arith.addi %mul3A_154, %mul3A_763 : i32
        %multiple_of3A_765 = tpu.assume_multiple %add3A_764, 16 : i32
        %dma_start3A_766 = arith.constant 0 : i32
        %dma_start3A_767 = arith.constant 0 : i32
        %dma_start3A_768 = tpu.memref_slice %arg6[%arg1, %scan3A_174, %dma_start3A_766, %dma_start3A_767] : memref<16x2x16x3328xf32, #tpu.memory_space<vmem_shared>> -> memref<1x1x16x3328xf32, #tpu.memory_space<vmem_shared>>
        %dma_start3A_769 = tpu.memref_squeeze %dma_start3A_768 : memref<1x1x16x3328xf32, #tpu.memory_space<vmem_shared>> -> memref<16x3328xf32, #tpu.memory_space<vmem_shared>>
        %dma_start3A_770 = arith.constant 0 : i32
        %dma_start3A_771 = tpu.memref_slice %arg2[%multiple_of3A_765, %dma_start3A_770] : memref<16384x3328xf32, #tpu.memory_space<hbm>> -> memref<16x3328xf32, #tpu.memory_space<hbm>>
        tpu.enqueue_dma source(%dma_start3A_771 : memref<16x3328xf32, #tpu.memory_space<hbm>>) target(%dma_start3A_769 : memref<16x3328xf32, #tpu.memory_space<vmem_shared>>) target_semaphore(%arg7 : memref<!tpu.dma_semaphore, #tpu.memory_space<semaphore_mem>>)
      } else {
      }
    }
    %scan3A_180 = arith.constant 16 : i32
    %dma_wait3A = arith.constant 0 : i32
    %dma_wait3A_181 = arith.constant 0 : i32
    %dma_wait3A_182 = tpu.memref_slice %arg4[%dma_wait3A, %dma_wait3A_181] : memref<425984x128xf32, #tpu.memory_space<hbm>> -> memref<416x128xf32, #tpu.memory_space<hbm>>
    %dma_wait3A_183 = arith.constant 0 : i32
    %dma_wait3A_184 = arith.constant 0 : i32
    %dma_wait3A_185 = tpu.memref_slice %arg4[%dma_wait3A_183, %dma_wait3A_184] : memref<425984x128xf32, #tpu.memory_space<hbm>> -> memref<416x128xf32, #tpu.memory_space<hbm>>
    tpu.wait_dma2 semaphore(%arg9 : memref<!tpu.dma_semaphore, #tpu.memory_space<semaphore_mem>>) src(%dma_wait3A_185 : memref<416x128xf32, #tpu.memory_space<hbm>>) dst(%dma_wait3A_182 : memref<416x128xf32, #tpu.memory_space<hbm>>)
    %dma_wait3A_186 = arith.constant 0 : i32
    %dma_wait3A_187 = arith.constant 0 : i32
    %dma_wait3A_188 = tpu.memref_slice %arg4[%dma_wait3A_186, %dma_wait3A_187] : memref<425984x128xf32, #tpu.memory_space<hbm>> -> memref<416x128xf32, #tpu.memory_space<hbm>>
    %dma_wait3A_189 = arith.constant 0 : i32
    %dma_wait3A_190 = arith.constant 0 : i32
    %dma_wait3A_191 = tpu.memref_slice %arg4[%dma_wait3A_189, %dma_wait3A_190] : memref<425984x128xf32, #tpu.memory_space<hbm>> -> memref<416x128xf32, #tpu.memory_space<hbm>>
    tpu.wait_dma2 semaphore(%arg10 : memref<!tpu.dma_semaphore, #tpu.memory_space<semaphore_mem>>) src(%dma_wait3A_191 : memref<416x128xf32, #tpu.memory_space<hbm>>) dst(%dma_wait3A_188 : memref<416x128xf32, #tpu.memory_space<hbm>>)
    return
  }
}

</mosaic_0001>

<sc_bundles>
// kernel: kernel.3.cloned.1.call-start
scs
__scs_entry_jumppad:
0x0: {  	(pc) =	sbr.rel $0x88, $3  }
0x1: {  	(tag) =	ssettag $0x0;
	lr =	simm.s32 $0x1  }
0x2: {  	[smem:$0x3F9E] =	sst lr;
	_ =	strace $0xD0000000  }
0x3: {  	_ = 	snop  }
0x4: {  	_ = 	snop  }
0x5: {  	_ = 	snop  }
0x6: {  	_ = 	snop  }
0x7: {  	_ = 	snop  }
__scs_overlays_trampoline_lowered:
0x8: {  	[smem:$0x3FAD] =	sst s0  }
0x9: {  	[smem:$0x3FAE] =	sst s1  }
0xa: {  	[smem:$0x3FAF] =	sst s2  }
0xb: {  	[smem:$0x3FB0] =	sst s3  }
0xc: {  	[smem:$0x3FB1] =	sst s4  }
0xd: {  	[smem:$0x3FB2] =	sst s5  }
0xe: {  	[smem:$0x3FB3] =	sst s6  }
0xf: {  	[smem:$0x3FB4] =	sst s7  }
0x10: {  	[smem:$0x3FB5] =	sst s8  }
0x11: {  	[smem:$0x3FB6] =	sst s9;
	s0 =	simm.s32 @!p0 $0x0  }
0x12: {  	s1 =	sld [smem:$0x3F9C];
	s0 =	simm.s32 @p0 $0x1  }
0x13: {  	[smem:$0x3FB7] =	sst s0;
	s0 =	simm.s32 @!p1 $0x0  }
0x14: {  	s2 =	sld [smem:$0x3F9B];
	s0 =	simm.s32 @p1 $0x1  }
0x15: {  	[smem:$0x3FB8] =	sst s0;
	s0 =	simm.s32 @!p2 $0x0  }
0x16: {  	s3 =	sld [smem:$0x3FDB];
	s0 =	simm.s32 @p2 $0x1  }
0x17: {  	s4 =	simm.s32 $0x1BF5;
	[smem:$0x3FBA] =	sst s0  }
0x18: {  	s0 =	sld [smem:$0x3F9D];
	_ =	swait.ge [sflag:s4], $0x0  }
0x19: {  	s7 =	sld [smem:$0x3F9E]  }
0x1a: {  	s8 =	sadd.s32 $0xFFFFE003, lr  }
0x1b: {  	s9 =	sadd.s32 $0xFFFFFEF7, lr;
	s5 =	simm.s32 $0xFFFFFFFF;
	p2 =	slt.u32 s8, $0xFFFFF086  }
0x1c: {  	p1 =	slt.u32 s9, $0xF7A;
	s5 =	simm.s32 @!p2 $0x0  }
0x1d: {  	s5 =	simm.s32 @p1 $0x1;
	p0 =	seq.s32 s7, s2  }
0x1e: {  	s7 =	smul.u32 @!p0 $0xF7A, s2;
	p2 =	seq.s32 @!p0 s5, $0x0  }
0x1f: {  	s9 =	smul.u32 $0xF7A, s1;
	s8 =	simm.s32 @!p0 $0x1BF5;
	p2 =	por !p2, p0  }
0x20: {  	[sflag:s8] =	ssyncset.s32 @!p0 $0xFFFFF086;
	s6 =	sadd.s32 @!p0 s3, s7;
	s7 =	simm.s32 @!p0 $0x108  }
0x21: {  	s3 =	sadd.s32 s3, s9;
	s6 =	sadd.s32 @!p0 $0x88, s6;
	s7 =	simm.s32 @p2 $0x1082  }
0x22: {  	[simem:s7], [sflag:s8] =	dma.local @!p0 [hbm:s6], $0xF7A  }
0x23: {  	s9 =	sor.u32 $0xD0000000, s2;
	s6 =	simm.s32 $0x108;
	_ =	swait.ge @!p0 [sflag:s8], $0x0  }
0x24: {  	s3 =	sadd.s32 $0x88, s3;
	s6 =	simm.s32 @!p1 $0x1082;
	[sflag:s4] =	ssyncset.s32 $0xFFFFF086  }
0x25: {  	[simem:s6], [sflag:s4] =	dma.local [hbm:s3], $0xF7A  }
0x26: {  	[smem:$0x3F9E] =	sst s1;
	(tag) =	ssettag s2;
	_ =	strace s9  }
0x27: {  	s1 =	sld [smem:$0x3FAE]  }
0x28: {  	s2 =	sld [smem:$0x3FAF]  }
0x29: {  	s4 =	sld [smem:$0x3FB1]  }
0x2a: {  	p0 =	seq.s32 s5, $0x0;
	s5 =	sld [smem:$0x3FB2]  }
0x2b: {  	s6 =	sld [smem:$0x3FB3]  }
0x2c: {  	s7 =	sld [smem:$0x3FB4]  }
0x2d: {  	s3 =	simm.s32 $0x108;
	s8 =	sld [smem:$0x3FB5]  }
0x2e: {  	s3 =	simm.s32 @!p0 $0x1082;
	s9 =	sld [smem:$0x3FB6]  }
0x2f: {  	lr =	sadd.s32 s0, s3;
	s0 =	sld [smem:$0x3FAD]  }
0x30: {  	s3 =	sld [smem:$0x3FB0]  }
0x31: {  	[smem:$0x3FB9] =	sst s10  }
0x32: {  	s10 =	sld [smem:$0x3FB7];
	_ =	sdelay $0x3  }
0x33: {  	p0 =	seq.s32 s10, $0x1;
	s10 =	sld [smem:$0x3FB9];
	_ =	sdelay $0x3  }
0x34: {  	[smem:$0x3FB9] =	sst s10  }
0x35: {  	s10 =	sld [smem:$0x3FB8];
	_ =	sdelay $0x3  }
0x36: {  	p1 =	seq.s32 s10, $0x1;
	s10 =	sld [smem:$0x3FB9];
	_ =	sdelay $0x3  }
0x37: {  	[smem:$0x3FB9] =	sst s10  }
0x38: {  	s10 =	sld [smem:$0x3FBA]  }
0x39: {  	_ = 	snop;
	(pc) =	sbr.ind lr, $3  }
0x3a: {  	_ = 	snop  }
0x3b: {  	_ = 	snop  }
0x3c: {  	p2 =	seq.s32 s10, $0x1;
	s10 =	sld [smem:$0x3FB9]  }
0x3d: {  	_ =	shalt  }
0x3e: {  	_ =	shalt  }
0x3f: {  	_ =	shalt  }
0x40: {  	_ =	shalt  }
0x41: {  	_ =	shalt  }
0x42: {  	_ =	shalt  }
0x43: {  	_ =	shalt  }
0x44: {  	_ =	shalt  }
0x45: {  	_ =	shalt  }
0x46: {  	_ =	shalt  }
0x47: {  	_ =	shalt  }
0x48: {  	_ =	shalt  }
0x49: {  	_ =	shalt  }
0x4a: {  	_ =	shalt  }
0x4b: {  	_ =	shalt  }
0x4c: {  	_ =	shalt  }
0x4d: {  	_ =	shalt  }
0x4e: {  	_ =	shalt  }
0x4f: {  	_ =	shalt  }
0x50: {  	_ =	shalt  }
0x51: {  	_ =	shalt  }
0x52: {  	_ =	shalt  }
0x53: {  	_ =	shalt  }
0x54: {  	_ =	shalt  }
0x55: {  	_ =	shalt  }
0x56: {  	_ =	shalt  }
0x57: {  	_ =	shalt  }
0x58: {  	_ =	shalt  }
0x59: {  	_ =	shalt  }
0x5a: {  	_ =	shalt  }
0x5b: {  	_ =	shalt  }
0x5c: {  	_ =	shalt  }
0x5d: {  	_ =	shalt  }
0x5e: {  	_ =	shalt  }
0x5f: {  	_ =	shalt  }
0x60: {  	_ =	shalt  }
0x61: {  	_ =	shalt  }
0x62: {  	_ =	shalt  }
0x63: {  	_ =	shalt  }
0x64: {  	_ =	shalt  }
0x65: {  	_ =	shalt  }
0x66: {  	_ =	shalt  }
0x67: {  	_ =	shalt  }
0x68: {  	_ =	shalt  }
0x69: {  	_ =	shalt  }
0x6a: {  	_ =	shalt  }
0x6b: {  	_ =	shalt  }
0x6c: {  	_ =	shalt  }
0x6d: {  	_ =	shalt  }
0x6e: {  	_ =	shalt  }
0x6f: {  	_ =	shalt  }
0x70: {  	_ =	shalt  }
0x71: {  	_ =	shalt  }
0x72: {  	_ =	shalt  }
0x73: {  	_ =	shalt  }
0x74: {  	_ =	shalt  }
0x75: {  	_ =	shalt  }
0x76: {  	_ =	shalt  }
0x77: {  	_ =	shalt  }
0x78: {  	_ =	shalt  }
0x79: {  	_ =	shalt  }
0x7a: {  	_ =	shalt  }
0x7b: {  	_ =	shalt  }
0x7c: {  	_ =	shalt  }
0x7d: {  	_ =	shalt  }
0x7e: {  	_ =	shalt  }
0x7f: {  	_ =	shalt  }
0x80: {  	_ =	shalt  }
0x81: {  	_ =	shalt  }
0x82: {  	_ =	shalt  }
0x83: {  	_ =	shalt  }
0x84: {  	_ =	shalt  }
0x85: {  	_ =	shalt  }
0x86: {  	_ =	shalt  }
0x87: {  	_ =	shalt  }
.Lfunc_end0:
.L_simem_size_0:
called_computation_lowered:
.L_overlay_start_0:
0x88: {  	s2 =	sld [smem:$0x3FD9]  }
0x89: {  	s3 =	sld [smem:$0x3FFE];
	_ =	sdelay $0x1  }
0x8a: {  	s1 =	srdreg.scid  }
0x8b: {  	s0 =	sand.u32 $0x1, s1  }
0x8c: {  	s17 =	sshll.u32 s0, $0xA;
	s2 =	sadd.s32 s3, s2  }
0x8d: {  	s2 =	sadd.s32 s2, s17  }
0x8e: {  	[smem:$0x3FC5] =	sst s2  }
0x8f: {  	_ = 	snop  }
0x90: {  	s2 =	sld [smem:$0x3FC9]  }
0x91: {  	s18 =	sld [smem:$0x3FD0];
	(tm) =	ssettm $0x1  }
0x92: {  	s4 =	sld [smem:$0x3FFB];
	_ =	sdelay $0x3  }
0x93: {  	_ =	strace s4  }
0x94: {  	s4 =	sld [smem:$0x3FFC];
	_ =	sdelay $0x3  }
0x95: {  	_ =	strace s4  }
0x96: {  	s4 =	sld [smem:$0x3FFD];
	_ =	sdelay $0x3  }
0x97: {  	_ =	strace s4  }
0x98: {  	_ =	strace $0x8FFFFFFF  }
0x99: {  	s19 =	sld [smem:$0x3FDB];
	_ =	sdelay $0x1  }
0x9a: {  	s5 =	simm.s32 $_scs_section_size  }
0x9b: {  	s6 =	simm.s32 $_size__tile_overlayer_lowered;
	s7 =	simm.s32 $_tile_overlayer_lowered  }
0x9c: {  	s22 =	simm.s32 $0x1BFF;
	s21 =	sshll.u32 s7, $0x1;
	s4 =	sadd.s32 s5, s19  }
0x9d: {  	s8 =	simm.s32 $0x0;
	s20 =	sshll.u32 s6, $0x1;
	s6 =	sadd.s32 s21, s4  }
0x9e: {  	[timem:s8], [sflag:s22] =	dma.local [hbm:s6], s20  }
0x9f: {  	_ =	swait.ge [sflag:s22], s20  }
0xa0: {  	s5 =	ssub.s32 $0x0, s20;
	[sflag:s22] =	ssyncset.done $0x0  }
0xa1: {  	[sflag:s22] =	ssyncadd.s32 s5;
	_ =	sdelay $0x1  }
0xa2: {  	s23 =	simm.s32 $0x1B8B  }
0xa3: {  	_ =	swait.ge [sflag:s23], $0x1  }
0xa4: {  	[sflag:s23] =	ssyncset.done $0x0  }
0xa5: {  	s25 =	simm.s32 $0x1B8E;
	s24 =	sld [smem:$0x3FFE];
	[sflag:s23] =	ssyncadd.s32 $0xFFFFFFFF  }
0xa6: {  	s26 =	simm.s32 $execute0_lowered;
	[smem:$0x3FD2] =	sst s25  }
0xa7: {  	s6 =	sshll.u32 s26, $0x1;
	_ =	strace $0x80000046;
	[dreg:$0x1] =	wrdreg $0xFFFFFFFF  }
0xa8: {  	s28 =	simm.s32 $_size_execute0_lowered;
	s4 =	sadd.s32 s4, s6;
	[dreg:$0x0] =	wrdreg $0x0  }
0xa9: {  	s6 =	sshll.u32 s28, $0x1;
	[dreg:$0x2] =	wrdreg s4  }
0xaa: {  	[dreg:$0x3] =	wrdreg s6  }
0xab: {  	[dreg:$0x4] =	wrdreg $0xC0  }
0xac: {  	_ =	task [dreg:s8], $0x5FFFF  }
0xad: {  	[dreg:$0x1] =	wrdreg $0xFFFFFFFF  }
0xae: {  	[dreg:$0x0] =	wrdreg $0x60  }
0xaf: {  	[dreg:$0x2] =	wrdreg s2  }
0xb0: {  	[dreg:$0x3] =	wrdreg s24  }
0xb1: {  	[dreg:$0x4] =	wrdreg s18  }
0xb2: {  	[dreg:$0x5] =	wrdreg $0x800  }
0xb3: {  	[dreg:$0x6] =	wrdreg $0x9  }
0xb4: {  	_ =	task.clear_ibuf [dreg:s8], $0x7FFFF;
	_ =	strace $0x90000046  }
0xb5: {  	s29 =	simm.s32 $0x9;
	_ =	strace $0x80000048  }
0xb6: {  	_ =	swait.ge [sflag:s29], $0x1  }
0xb7: {  	[sflag:s29] =	ssyncadd.s32 $0xFFFFFFFF  }
0xb8: {  	_ =	strace $0x90000048  }
0xb9: {  	_ =	sfence  }
0xba: {  	s30 =	sld [smem:$0x0];
	_ =	sdelay $0x2  }
0xbb: {  	s31 =	sshll.u32 s1, $0xD;
	s1 =	sshrl.u32 s1, $0x2  }
0xbc: {  	s3 =	sand.u32 $0x4000, s31;
	s1 =	sadd.s32 s1, s30  }
0xbd: {  	s0 =	sor.u32 s3, s0;
	s1 =	sshll.u32 s1, $0x11  }
0xbe: {  	s0 =	sor.u32 s1, s0  }
0xbf: {  	s0 =	sadd.s32 $0x8F2B, s0  }
0xc0: {  	[sflag:s0] =	ssyncadd.remote.s32 $0x1  }
0xc1: {  	_ =	sfence.sel $0xFFFF  }
0xc2: {  	[dreg:$0x0] =	wrdreg $0xFFFFFFFF;
	(pc) =	sbr.abs _section_cstart, $3  }
0xc3: {  	[dreg:$0x1] =	wrdreg $0xFFFFFFFF  }
0xc4: {  	_ =	task.clear_ibuf [dreg:s8], $0x2FFFF;
	_ =	strace $0x9FFFFFFF  }
0xc5: {  	(tm) =	ssettm $0x7FFFFFFF  }
tec
execute0_lowered:
.L_overlay_start_1:
0x0: {  	(tag) =	ssettag $0x1  }
0x1: {  	s0 =	rddreg [dreg:$0x0]  }
0x2: {  	s1 =	rddreg [dreg:$0x1]  }
0x3: {  	s2 =	rddreg [dreg:$0x2]  }
0x4: {  	s3 =	rddreg [dreg:$0x3]  }
0x5: {  	s4 =	srdreg.scid;
	s10 =	stileid.u32  }
0x6: {  	s7 =	simm.s32 $0x0;
	s4 =	sand.u32 $0x1, s4;
	s5 =	sshll.u32 s10, $0xA  }
0x7: {  	[smem:$0x7FF] =	sst s7;
	s17 =	smul.u32 $0x68000, s10;
	s1 =	sadd.s32 $0x400, s1  }
0x8: {  	s24 =	sshll.u32 s10, $0xE;
	s28 =	sshll.u32 s10, $0x6;
	s6 =	sshll.u32 s4, $0x9  }
0x9: {  	_ =	strace $0x80000047;
	s18 =	ssub.s32 $0x2, s4;
	[dreg:$0x5] =	wrdreg s1  }
0xa: {  	s2 =	sadd.s32 s24, s2;
	s4 =	sshll.u32 s4, $0xD;
	s29 =	sor.u32 $0x1C01, s28  }
0xb: {  	[dreg:$0xe] =	wrdreg s28;
	s5 =	sor.u32 s6, s5;
	s9 =	sshrl.u32 s18, $0x1  }
0xc: {  	s6 =	sshrl.u32 s17, $0x2;
	s26 =	sadd.s32 s4, s2;
	[dreg:$0xf] =	wrdreg s29  }
0xd: {  	s8 =	sshrl.u32 s5, $0x3;
	s19 =	ssub.s32 s18, s9;
	s20 =	sadd.s32 s6, s3  }
0xe: {  	s23 =	sor.u32 $0x20, s5;
	s5 =	sor.u32 $0x10, s5;
	[dreg:$0xc] =	wrdreg s26  }
0xf: {  	s8 =	smul.u32 $0xD00, s8;
	s1 =	smax.u32 s19, $0x1;
	[dreg:$0x6] =	wrdreg s20  }
0x10: {  	s22 =	sadd.s32 $0xD000, s20;
	s30 =	sshrl.u32 s20, $0x3;
	[dreg:$0xa] =	wrdreg s1  }
0x11: {  	s3 =	sshrl.u32 s23, $0x3;
	s5 =	sshrl.u32 s5, $0x3;
	[dreg:$0x10] =	wrdreg s30  }
0x12: {  	s3 =	smul.u32 $0xD00, s3;
	[dreg:$0x8] =	wrdreg s22;
	s31 =	sshrl.u32 s22, $0x3  }
0x13: {  	s5 =	smul.u32 $0xD00, s5;
	s21 =	sadd.s32 s0, s8;
	[dreg:$0x12] =	wrdreg s31  }
.Ltmp0:
0x14: {  	[dreg:$0x7] =	wrdreg s21;
	s6 =	sadd.s32 $0x1A00, s21;
	(pc) =	sbr.rel .LBB2_1-.Ltmp0, $4  }
0x15: {  	s25 =	sadd.s32 s3, s0;
	[dreg:$0x9] =	wrdreg s6  }
0x16: {  	s2 =	simm.s32 $0x0;
	s0 =	sadd.s32 s5, s0;
	[dreg:$0xb] =	wrdreg s25  }
0x17: {  	s19 =	simm.s32 $0x8;
	[dreg:$0xd] =	wrdreg s0;
	s0 =	sor.u32 $0x1C02, s28  }
0x18: {  	s20 =	simm.s32 $0x80;
	s21 =	simm.s32 $0xD00;
	[dreg:$0x11] =	wrdreg s0  }
.LBB2_4:
0x19: {  	s1 =	simm.s32 $0x4  }
0x1a: {  	_ =	swait.ge [sflag:s1], $0x1A00  }
0x1b: {  	s2 =	rddreg [dreg:$0x13]  }
0x1c: {  	s0 =	rddreg [dreg:$0xa];
	s2 =	sadd.s32 $0x1, s2  }
0x1d: {  	p0 =	sne.s32 s2, s0  }
.Ltmp1:
0x1e: {  	_ = 	snop;
	(pc) =	sbr.rel @!p0 .LBB2_5-.Ltmp1, $3  }
0x1f: {  	_ =	sdelay $0x1  }
0x20: {  	[sflag:s1] =	ssyncset.done $0x0  }
0x21: {  	[sflag:s1] =	ssyncadd.s32 $0xFFFFE600  }
.LBB2_1:
0x22: {  	[dreg:$0x13] =	wrdreg s2  }
0x23: {  	s0 =	simm.s32 $0x0;
	s1 =	rddreg [dreg:$0x5];
	s25 =	simm.s32 $0x5  }
0x24: {  	[tilespmem:s0], [sflag:$0x5] =	stream.linear.gather [hbm4b:s1+s0], $0x1A, $0x38;
	[tilespmem:$0x1A080] =	vst v63  }
0x25: {  	_ =	swait.ge [sflag:s25], $0x1A  }
0x26: {  	[sflag:s25] =	ssyncset.done $0x0  }
0x27: {  	[sflag:s25] =	ssyncadd.s32 $0xFFFFFFE6  }
0x28: {  	v0 =	vld [tilespmem:$0x0]  }
0x29: {  	v1 =	vld [tilespmem:$0x1]  }
0x2a: {  	v2 =	vld [tilespmem:$0x2]  }
0x2b: {  	v3 =	vld [tilespmem:$0x3]  }
0x2c: {  	v4 =	vld [tilespmem:$0x4]  }
0x2d: {  	v43 =	vld [tilespmem:$0x5];
	(v2sf) =	vpush v0, $0x0  }
0x2e: {  	v44 =	vld [tilespmem:$0x6];
	(v2sf) =	vpush v1, $0x0  }
0x2f: {  	v45 =	vld [tilespmem:$0x7];
	(v2sf) =	vpush v2, $0x0  }
0x30: {  	v46 =	vld [tilespmem:$0x8];
	(v2sf) =	vpush v3, $0x0  }
0x31: {  	v47 =	vld [tilespmem:$0x9];
	(v2sf) =	vpush v4, $0x0  }
0x32: {  	v48 =	vld [tilespmem:$0xA];
	(v2sf) =	vpush v43, $0x0  }
0x33: {  	v49 =	vld [tilespmem:$0xB];
	(v2sf) =	vpush v44, $0x0  }
0x34: {  	v50 =	vld [tilespmem:$0xC];
	(v2sf) =	vpush v45, $0x0  }
0x35: {  	v51 =	vld [tilespmem:$0xD];
	(v2sf) =	vpush v46, $0x0  }
0x36: {  	v52 =	vld [tilespmem:$0xE];
	(v2sf) =	vpush v47, $0x0  }
0x37: {  	v53 =	vld [tilespmem:$0xF];
	(v2sf) =	vpush v48, $0x0  }
0x38: {  	v54 =	vld [tilespmem:$0x10];
	(v2sf) =	vpush v49, $0x0  }
0x39: {  	v55 =	vld [tilespmem:$0x11];
	(v2sf) =	vpush v50, $0x0  }
0x3a: {  	v56 =	vld [tilespmem:$0x12];
	(v2sf) =	vpush v51, $0x0  }
0x3b: {  	v57 =	vld [tilespmem:$0x13];
	(v2sf) =	vpush v52, $0x0  }
0x3c: {  	v58 =	vld [tilespmem:$0x14];
	s0 =	spop (v2sf);
	(v2sf) =	vpush v53, $0x0  }
0x3d: {  	v59 =	vld [tilespmem:$0x15];
	s1 =	spop (v2sf);
	(v2sf) =	vpush v54, $0x0  }
0x3e: {  	v60 =	vld [tilespmem:$0x16];
	s2 =	spop (v2sf);
	(v2sf) =	vpush v55, $0x0  }
0x3f: {  	v61 =	vld [tilespmem:$0x17];
	s3 =	spop (v2sf);
	(v2sf) =	vpush v56, $0x0  }
0x40: {  	v62 =	vld [tilespmem:$0x18];
	s4 =	spop (v2sf);
	(v2sf) =	vpush v57, $0x0  }
0x41: {  	v63 =	vld [tilespmem:$0x19];
	s5 =	spop (v2sf);
	(v2sf) =	vpush v58, $0x0  }
0x42: {  	(v2sf) =	vpush v59, $0x0;
	s6 =	spop (v2sf)  }
0x43: {  	(v2sf) =	vpush v60, $0x0;
	s7 =	spop (v2sf)  }
0x44: {  	(v2sf) =	vpush v61, $0x0;
	s8 =	spop (v2sf)  }
0x45: {  	(v2sf) =	vpush v62, $0x0;
	s9 =	spop (v2sf)  }
0x46: {  	s10 =	spop (v2sf);
	(v2sf) =	vpush v63, $0x0  }
0x47: {  	s11 =	spop (v2sf)  }
0x48: {  	s12 =	spop (v2sf)  }
0x49: {  	s13 =	spop (v2sf)  }
0x4a: {  	s14 =	spop (v2sf)  }
0x4b: {  	s15 =	spop (v2sf)  }
0x4c: {  	s16 =	spop (v2sf)  }
0x4d: {  	s17 =	spop (v2sf)  }
0x4e: {  	s18 =	spop (v2sf)  }
0x4f: {  	s30 =	rddreg [dreg:$0x7];
	s22 =	spop (v2sf)  }
0x50: {  	s31 =	rddreg [dreg:$0xf];
	s0 =	sshll.u32 s0, $0x3;
	s23 =	spop (v2sf)  }
0x51: {  	s1 =	sshll.u32 s1, $0x3;
	s2 =	sshll.u32 s2, $0x3;
	s24 =	spop (v2sf)  }
0x52: {  	s3 =	sshll.u32 s3, $0x3;
	s2 =	sand.u32 $0x7FFFFC00, s2;
	s25 =	spop (v2sf)  }
0x53: {  	s4 =	sshll.u32 s4, $0x3;
	s3 =	sand.u32 $0x7FFFFC00, s3;
	s26 =	spop (v2sf)  }
0x54: {  	s4 =	sand.u32 $0x7FFFFC00, s4;
	[smem:$0x7CE] =	sst s26;
	s28 =	spop (v2sf)  }
0x55: {  	s5 =	sshll.u32 s5, $0x3;
	s26 =	rddreg [dreg:$0x10];
	s29 =	spop (v2sf)  }
0x56: {  	[spmem:s26], [sflag:s31] =	dma.local [hbm:s30], $0x1A00  }
0x57: {  	s6 =	sshll.u32 s6, $0x3;
	s5 =	sand.u32 $0x7FFFFC00, s5;
	s30 =	rddreg [dreg:$0x9]  }
0x58: {  	s7 =	sshll.u32 s7, $0x3;
	s6 =	sand.u32 $0x7FFFFC00, s6;
	s26 =	rddreg [dreg:$0x11]  }
0x59: {  	s7 =	sand.u32 $0x7FFFFC00, s7;
	s8 =	sshll.u32 s8, $0x3;
	s31 =	rddreg [dreg:$0x12]  }
0x5a: {  	[spmem:s31], [sflag:s26] =	dma.local [hbm:s30], $0x1A00  }
0x5b: {  	s9 =	sshll.u32 s9, $0x3;
	s10 =	sshll.u32 s10, $0x3;
	s26 =	sld [smem:$0x7CE]  }
0x5c: {  	s8 =	sand.u32 $0x7FFFFC00, s8;
	s9 =	sand.u32 $0x7FFFFC00, s9;
	s10 =	sand.u32 $0x7FFFFC00, s10  }
0x5d: {  	s11 =	sshll.u32 s11, $0x3;
	s12 =	sshll.u32 s12, $0x3;
	s30 =	sand.u32 $0x7FFFFC00, s0  }
0x5e: {  	s31 =	sand.u32 $0x7FFFFC00, s1;
	s0 =	rddreg [dreg:$0x6];
	s1 =	sshll.u32 s26, $0x3  }
0x5f: {  	s11 =	sand.u32 $0x7FFFFC00, s11;
	s26 =	sand.u32 $0x7FFFFC00, s1;
	s1 =	sadd.s32 s30, s0  }
0x60: {  	s13 =	sshll.u32 s13, $0x3;
	s12 =	sand.u32 $0x7FFFFC00, s12;
	[smem:$0x7CF] =	sst s1  }
0x61: {  	s13 =	sand.u32 $0x7FFFFC00, s13;
	s14 =	sshll.u32 s14, $0x3;
	s1 =	rddreg [dreg:$0x8]  }
0x62: {  	s15 =	sshll.u32 s15, $0x3;
	s14 =	sand.u32 $0x7FFFFC00, s14;
	s30 =	sadd.s32 s30, s1  }
0x63: {  	s16 =	sshll.u32 s16, $0x3;
	[smem:$0x7E7] =	sst s30;
	s30 =	sadd.s32 s31, s0  }
0x64: {  	s15 =	sand.u32 $0x7FFFFC00, s15;
	[smem:$0x7D0] =	sst s30;
	s30 =	sadd.s32 s31, s1  }
0x65: {  	s31 =	sadd.s32 s10, s0;
	s10 =	sadd.s32 s10, s1;
	[smem:$0x7E9] =	sst s30  }
0x66: {  	s16 =	sand.u32 $0x7FFFFC00, s16;
	s30 =	sadd.s32 s2, s0;
	[smem:$0x7F7] =	sst s10  }
0x67: {  	s17 =	sshll.u32 s17, $0x3;
	s2 =	sadd.s32 s2, s1;
	[smem:$0x7D1] =	sst s30  }
0x68: {  	s10 =	sadd.s32 s12, s0;
	s12 =	sadd.s32 s12, s1;
	[smem:$0x7EB] =	sst s2  }
0x69: {  	s18 =	sshll.u32 s18, $0x3;
	s30 =	sadd.s32 s3, s0;
	[smem:$0x7F9] =	sst s12  }
0x6a: {  	s17 =	sand.u32 $0x7FFFFC00, s17;
	s3 =	sadd.s32 s3, s1;
	[smem:$0x7D2] =	sst s30  }
0x6b: {  	s22 =	sshll.u32 s22, $0x3;
	s10 =	sshrl.u32 s10, $0x3;
	[smem:$0x7ED] =	sst s3  }
0x6c: {  	s18 =	sand.u32 $0x7FFFFC00, s18;
	s30 =	sadd.s32 s4, s0;
	[smem:$0x7D9] =	sst s10  }
0x6d: {  	s22 =	sand.u32 $0x7FFFFC00, s22;
	s3 =	sadd.s32 s4, s1;
	[smem:$0x7D3] =	sst s30  }
0x6e: {  	s23 =	sshll.u32 s23, $0x3;
	s4 =	sadd.s32 s5, s0;
	[smem:$0x7EF] =	sst s3  }
0x6f: {  	s24 =	sshll.u32 s24, $0x3;
	s5 =	sadd.s32 s5, s1;
	[smem:$0x7D4] =	sst s4  }
0x70: {  	s23 =	sand.u32 $0x7FFFFC00, s23;
	[smem:$0x7F1] =	sst s5;
	s30 =	sadd.s32 s6, s0  }
0x71: {  	s25 =	sshll.u32 s25, $0x3;
	s3 =	sadd.s32 s6, s1;
	[smem:$0x7D5] =	sst s30  }
0x72: {  	s24 =	sand.u32 $0x7FFFFC00, s24;
	s4 =	sadd.s32 s7, s0;
	[smem:$0x7F3] =	sst s3  }
0x73: {  	s25 =	sand.u32 $0x7FFFFC00, s25;
	s5 =	sadd.s32 s7, s1;
	[smem:$0x7D6] =	sst s4  }
0x74: {  	s28 =	sshll.u32 s28, $0x3;
	s6 =	sadd.s32 s8, s0;
	[smem:$0x7F4] =	sst s5  }
0x75: {  	s29 =	sshll.u32 s29, $0x3;
	s7 =	sadd.s32 s8, s1;
	[smem:$0x7D7] =	sst s6  }
0x76: {  	s28 =	sand.u32 $0x7FFFFC00, s28;
	s8 =	sadd.s32 s9, s0;
	[smem:$0x7F5] =	sst s7  }
0x77: {  	s29 =	sand.u32 $0x7FFFFC00, s29;
	s9 =	sadd.s32 s9, s1;
	[smem:$0x7D8] =	sst s8  }
0x78: {  	s12 =	sadd.s32 s17, s1;
	s2 =	sadd.s32 s24, s0;
	[smem:$0x7F6] =	sst s9  }
0x79: {  	s30 =	sadd.s32 s11, s0;
	s11 =	sadd.s32 s11, s1;
	s9 =	sadd.s32 s13, s0  }
0x7a: {  	s13 =	sadd.s32 s13, s1;
	s8 =	sadd.s32 s14, s0;
	s14 =	sadd.s32 s14, s1  }
0x7b: {  	s7 =	sadd.s32 s15, s0;
	s6 =	sadd.s32 s16, s0;
	[smem:$0x7F8] =	sst s11  }
0x7c: {  	s16 =	sadd.s32 s16, s1;
	s5 =	sadd.s32 s17, s0;
	[smem:$0x7FA] =	sst s13  }
0x7d: {  	s17 =	sadd.s32 s18, s0;
	s18 =	sadd.s32 s18, s1;
	[smem:$0x7FB] =	sst s14  }
0x7e: {  	s4 =	sadd.s32 s22, s0;
	s22 =	sadd.s32 s22, s1;
	[smem:$0x7FC] =	sst s16  }
0x7f: {  	s11 =	sadd.s32 s15, s1;
	[smem:$0x7FD] =	sst s18;
	s18 =	sadd.s32 s24, s1  }
0x80: {  	s24 =	sadd.s32 s25, s0;
	s14 =	sadd.s32 s25, s1;
	s25 =	sadd.s32 s26, s0  }
0x81: {  	s15 =	sadd.s32 s26, s1;
	s26 =	sadd.s32 s28, s0;
	s16 =	sadd.s32 s28, s1  }
0x82: {  	s28 =	sadd.s32 s29, s0;
	s13 =	sadd.s32 s29, s1;
	s29 =	sld [smem:$0x7CF]  }
0x83: {  	s3 =	sadd.s32 s23, s0;
	s23 =	sadd.s32 s23, s1;
	s1 =	sld [smem:$0x7D0]  }
0x84: {  	s6 =	sshrl.u32 s6, $0x3;
	s10 =	sshrl.u32 s3, $0x3;
	s3 =	sld [smem:$0x7EB]  }
0x85: {  	[smem:$0x7DD] =	sst s6  }
0x86: {  	[smem:$0x7E1] =	sst s10  }
0x87: {  	s6 =	sld [smem:$0x7F1]  }
0x88: {  	s24 =	sshrl.u32 s24, $0x3;
	s10 =	sld [smem:$0x7F6]  }
0x89: {  	s25 =	sshrl.u32 s25, $0x3;
	[smem:$0x7E3] =	sst s24  }
0x8a: {  	[smem:$0x7E4] =	sst s25  }
0x8b: {  	s24 =	sld [smem:$0x7F8]  }
0x8c: {  	s0 =	sshrl.u32 s29, $0x3;
	s29 =	sld [smem:$0x7D1]  }
0x8d: {  	[dreg:$0x14] =	wrdreg s0  }
0x8e: {  	s0 =	sshrl.u32 s1, $0x3;
	s1 =	sld [smem:$0x7D2]  }
0x8f: {  	[dreg:$0x15] =	wrdreg s0  }
0x90: {  	s0 =	sshrl.u32 s29, $0x3;
	s29 =	sld [smem:$0x7D3]  }
0x91: {  	[dreg:$0x16] =	wrdreg s0  }
0x92: {  	s0 =	sshrl.u32 s1, $0x3;
	s1 =	sld [smem:$0x7D4]  }
0x93: {  	[dreg:$0x17] =	wrdreg s0  }
0x94: {  	s0 =	sshrl.u32 s29, $0x3;
	s29 =	sld [smem:$0x7D5]  }
0x95: {  	[dreg:$0x18] =	wrdreg s0  }
0x96: {  	s0 =	sshrl.u32 s1, $0x3;
	s1 =	sld [smem:$0x7D6]  }
0x97: {  	[dreg:$0x19] =	wrdreg s0  }
0x98: {  	s0 =	sshrl.u32 s29, $0x3;
	s29 =	sld [smem:$0x7D7]  }
0x99: {  	[dreg:$0x1a] =	wrdreg s0  }
0x9a: {  	s0 =	sshrl.u32 s1, $0x3;
	s1 =	sld [smem:$0x7D8]  }
0x9b: {  	s25 =	sld [smem:$0x7F9]  }
0x9c: {  	[dreg:$0x1b] =	wrdreg s0;
	s0 =	sshrl.u32 s29, $0x3  }
0x9d: {  	s29 =	sshrl.u32 s31, $0x3;
	[dreg:$0x1c] =	wrdreg s0;
	s0 =	sshrl.u32 s1, $0x3  }
0x9e: {  	[dreg:$0x1e] =	wrdreg s29;
	s1 =	sshrl.u32 s30, $0x3;
	s30 =	sshrl.u32 s8, $0x3  }
0x9f: {  	s8 =	sshrl.u32 s17, $0x3;
	s17 =	sshrl.u32 s2, $0x3;
	s2 =	sld [smem:$0x7E9]  }
0xa0: {  	s29 =	sshrl.u32 s9, $0x3;
	s9 =	sshrl.u32 s4, $0x3;
	s4 =	sld [smem:$0x7ED]  }
0xa1: {  	[dreg:$0x1d] =	wrdreg s0  }
0xa2: {  	[dreg:$0x1f] =	wrdreg s1  }
0xa3: {  	[smem:$0x7DA] =	sst s29  }
0xa4: {  	[smem:$0x7DB] =	sst s30  }
0xa5: {  	[smem:$0x7DF] =	sst s8  }
0xa6: {  	[smem:$0x7E0] =	sst s9  }
0xa7: {  	[smem:$0x7E2] =	sst s17  }
0xa8: {  	s1 =	sshrl.u32 s7, $0x3;
	s7 =	sshrl.u32 s5, $0x3;
	s5 =	sld [smem:$0x7EF]  }
0xa9: {  	s8 =	sld [smem:$0x7F4]  }
0xaa: {  	s9 =	sld [smem:$0x7F5]  }
0xab: {  	s17 =	sld [smem:$0x7F7]  }
0xac: {  	s29 =	sshrl.u32 s26, $0x3;
	s26 =	sld [smem:$0x7FA]  }
0xad: {  	s30 =	sshrl.u32 s28, $0x3;
	s28 =	sld [smem:$0x7FB]  }
0xae: {  	[smem:$0x7DC] =	sst s1  }
0xaf: {  	[smem:$0x7DE] =	sst s7  }
0xb0: {  	[smem:$0x7E5] =	sst s29  }
0xb1: {  	[smem:$0x7E6] =	sst s30  }
0xb2: {  	s1 =	sld [smem:$0x7E7]  }
0xb3: {  	s12 =	sshrl.u32 s12, $0x3;
	s7 =	sld [smem:$0x7F3]  }
0xb4: {  	s11 =	sshrl.u32 s11, $0x3;
	s14 =	sshrl.u32 s14, $0x3;
	s30 =	sld [smem:$0x7FD]  }
0xb5: {  	s15 =	sshrl.u32 s15, $0x3;
	s16 =	sshrl.u32 s16, $0x3;
	s29 =	sld [smem:$0x7FC]  }
0xb6: {  	s0 =	sshrl.u32 s1, $0x3;
	s31 =	sshrl.u32 s7, $0x3;
	s1 =	sshrl.u32 s9, $0x3  }
0xb7: {  	s7 =	sshrl.u32 s24, $0x3;
	s9 =	sshrl.u32 s28, $0x3;
	s24 =	sshrl.u32 s30, $0x3  }
0xb8: {  	[smem:$0x7E8] =	sst s0;
	s0 =	sshrl.u32 s2, $0x3;
	s2 =	sshrl.u32 s10, $0x3  }
0xb9: {  	s10 =	sshrl.u32 s18, $0x3;
	[smem:$0x7EA] =	sst s0;
	s0 =	sshrl.u32 s3, $0x3  }
0xba: {  	s18 =	sshrl.u32 s13, $0x3;
	[smem:$0x7EC] =	sst s0;
	s0 =	sshrl.u32 s4, $0x3  }
0xbb: {  	s3 =	sshrl.u32 s17, $0x3;
	[smem:$0x7EE] =	sst s0;
	s0 =	sshrl.u32 s5, $0x3  }
0xbc: {  	s17 =	sshrl.u32 s29, $0x3;
	s4 =	sshrl.u32 s23, $0x3;
	[smem:$0x7F0] =	sst s0  }
0xbd: {  	s23 =	simm.s32 $0x0;
	s0 =	sshrl.u32 s6, $0x3;
	s6 =	rddreg [dreg:$0xb]  }
0xbe: {  	s5 =	sshrl.u32 s26, $0x3;
	[smem:$0x7F2] =	sst s0;
	s0 =	sshrl.u32 s8, $0x3  }
0xbf: {  	s8 =	sshrl.u32 s25, $0x3;
	s25 =	sshrl.u32 s22, $0x3;
	s22 =	rddreg [dreg:$0xd]  }
.LBB2_2:
0xc0: {  	s13 =	simm.s32 $0x1  }
0xc1: {  	_ =	swait.ge [sflag:s13], $0x1A00  }
0xc2: {  	s26 =	rddreg [dreg:$0xc]  }
0xc3: {  	s29 =	rddreg [dreg:$0xe]  }
0xc4: {  	[sflag:s13] =	ssyncset.done $0x0;
	s28 =	rddreg [dreg:$0x14]  }
0xc5: {  	[sflag:s13] =	ssyncadd.s32 $0xFFFFE600;
	s13 =	sadd.s32 s23, s26;
	s26 =	sor.u32 $0x1C03, s29  }
0xc6: {  	[hbm:s13@s20], [sflag:s26] =	dma.strided [spmem:s28@s21], $0x100, s19, $0x10   }
0xc7: {  	s28 =	sadd.s32 $0x40000, s13;
	s30 =	rddreg [dreg:$0x15]  }
0xc8: {  	[hbm:s28@s20], [sflag:s26] =	dma.strided [spmem:s30@s21], $0x100, s19, $0x10   }
0xc9: {  	s28 =	sadd.s32 $0x80000, s13;
	s30 =	rddreg [dreg:$0x16]  }
0xca: {  	[hbm:s28@s20], [sflag:s26] =	dma.strided [spmem:s30@s21], $0x100, s19, $0x10   }
0xcb: {  	s28 =	sadd.s32 $0xC0000, s13;
	s30 =	rddreg [dreg:$0x17]  }
0xcc: {  	[hbm:s28@s20], [sflag:s26] =	dma.strided [spmem:s30@s21], $0x100, s19, $0x10   }
0xcd: {  	s28 =	sadd.s32 $0x100000, s13;
	s30 =	rddreg [dreg:$0x18]  }
0xce: {  	[hbm:s28@s20], [sflag:s26] =	dma.strided [spmem:s30@s21], $0x100, s19, $0x10   }
0xcf: {  	s28 =	sadd.s32 $0x140000, s13;
	s30 =	rddreg [dreg:$0x19]  }
0xd0: {  	[hbm:s28@s20], [sflag:s26] =	dma.strided [spmem:s30@s21], $0x100, s19, $0x10   }
0xd1: {  	s28 =	sadd.s32 $0x180000, s13;
	s30 =	rddreg [dreg:$0x1a]  }
0xd2: {  	[hbm:s28@s20], [sflag:s26] =	dma.strided [spmem:s30@s21], $0x100, s19, $0x10   }
0xd3: {  	s28 =	sadd.s32 $0x1C0000, s13;
	s30 =	rddreg [dreg:$0x1b]  }
0xd4: {  	[hbm:s28@s20], [sflag:s26] =	dma.strided [spmem:s30@s21], $0x100, s19, $0x10   }
0xd5: {  	s28 =	sadd.s32 $0x200000, s13;
	s30 =	rddreg [dreg:$0x1c]  }
0xd6: {  	[hbm:s28@s20], [sflag:s26] =	dma.strided [spmem:s30@s21], $0x100, s19, $0x10   }
0xd7: {  	s28 =	sadd.s32 $0x240000, s13;
	s30 =	rddreg [dreg:$0x1d]  }
0xd8: {  	[hbm:s28@s20], [sflag:s26] =	dma.strided [spmem:s30@s21], $0x100, s19, $0x10   }
0xd9: {  	s28 =	sadd.s32 $0x280000, s13;
	s30 =	rddreg [dreg:$0x1e]  }
0xda: {  	[hbm:s28@s20], [sflag:s26] =	dma.strided [spmem:s30@s21], $0x100, s19, $0x10   }
0xdb: {  	s28 =	sadd.s32 $0x2C0000, s13;
	s30 =	rddreg [dreg:$0x1f]  }
0xdc: {  	[hbm:s28@s20], [sflag:s26] =	dma.strided [spmem:s30@s21], $0x100, s19, $0x10   }
0xdd: {  	s30 =	sld [smem:$0x7D9];
	_ =	sdelay $0x1  }
0xde: {  	s28 =	sadd.s32 $0x300000, s13  }
0xdf: {  	[hbm:s28@s20], [sflag:s26] =	dma.strided [spmem:s30@s21], $0x100, s19, $0x10   }
0xe0: {  	s30 =	sld [smem:$0x7DA];
	_ =	sdelay $0x1  }
0xe1: {  	s28 =	sadd.s32 $0x340000, s13  }
0xe2: {  	[hbm:s28@s20], [sflag:s26] =	dma.strided [spmem:s30@s21], $0x100, s19, $0x10   }
0xe3: {  	s30 =	sld [smem:$0x7DB];
	_ =	sdelay $0x1  }
0xe4: {  	s28 =	sadd.s32 $0x380000, s13  }
0xe5: {  	[hbm:s28@s20], [sflag:s26] =	dma.strided [spmem:s30@s21], $0x100, s19, $0x10   }
0xe6: {  	s30 =	sld [smem:$0x7DC];
	_ =	sdelay $0x1  }
0xe7: {  	s28 =	sadd.s32 $0x3C0000, s13  }
0xe8: {  	[hbm:s28@s20], [sflag:s26] =	dma.strided [spmem:s30@s21], $0x100, s19, $0x10   }
0xe9: {  	s30 =	sld [smem:$0x7DD];
	_ =	sdelay $0x1  }
0xea: {  	s28 =	sadd.s32 $0x400000, s13  }
0xeb: {  	[hbm:s28@s20], [sflag:s26] =	dma.strided [spmem:s30@s21], $0x100, s19, $0x10   }
0xec: {  	s30 =	sld [smem:$0x7DE];
	_ =	sdelay $0x1  }
0xed: {  	s28 =	sadd.s32 $0x440000, s13  }
0xee: {  	[hbm:s28@s20], [sflag:s26] =	dma.strided [spmem:s30@s21], $0x100, s19, $0x10   }
0xef: {  	s30 =	sld [smem:$0x7DF];
	_ =	sdelay $0x1  }
0xf0: {  	s28 =	sadd.s32 $0x480000, s13  }
0xf1: {  	[hbm:s28@s20], [sflag:s26] =	dma.strided [spmem:s30@s21], $0x100, s19, $0x10   }
0xf2: {  	s30 =	sld [smem:$0x7E0];
	_ =	sdelay $0x1  }
0xf3: {  	s28 =	sadd.s32 $0x4C0000, s13  }
0xf4: {  	[hbm:s28@s20], [sflag:s26] =	dma.strided [spmem:s30@s21], $0x100, s19, $0x10   }
0xf5: {  	s30 =	sld [smem:$0x7E1];
	_ =	sdelay $0x1  }
0xf6: {  	s28 =	sadd.s32 $0x500000, s13  }
0xf7: {  	[hbm:s28@s20], [sflag:s26] =	dma.strided [spmem:s30@s21], $0x100, s19, $0x10   }
0xf8: {  	s30 =	sld [smem:$0x7E2];
	_ =	sdelay $0x1  }
0xf9: {  	s28 =	sadd.s32 $0x540000, s13  }
0xfa: {  	[hbm:s28@s20], [sflag:s26] =	dma.strided [spmem:s30@s21], $0x100, s19, $0x10   }
0xfb: {  	s30 =	sld [smem:$0x7E3];
	_ =	sdelay $0x1  }
0xfc: {  	s28 =	sadd.s32 $0x580000, s13  }
0xfd: {  	[hbm:s28@s20], [sflag:s26] =	dma.strided [spmem:s30@s21], $0x100, s19, $0x10   }
0xfe: {  	s30 =	sld [smem:$0x7E4];
	_ =	sdelay $0x1  }
0xff: {  	s28 =	sadd.s32 $0x5C0000, s13  }
0x100: {  	[hbm:s28@s20], [sflag:s26] =	dma.strided [spmem:s30@s21], $0x100, s19, $0x10   }
0x101: {  	s30 =	sld [smem:$0x7E5];
	_ =	sdelay $0x1  }
0x102: {  	s28 =	sadd.s32 $0x600000, s13  }
0x103: {  	[hbm:s28@s20], [sflag:s26] =	dma.strided [spmem:s30@s21], $0x100, s19, $0x10   }
0x104: {  	s30 =	sld [smem:$0x7E6];
	_ =	sdelay $0x1  }
0x105: {  	p0 =	seq.s32 s23, $0x0;
	s28 =	sadd.s32 $0x640000, s13  }
0x106: {  	[hbm:s28@s20], [sflag:s26] =	dma.strided [spmem:s30@s21], $0x100, s19, $0x10   }
0x107: {  	s26 =	simm.s32 @!p0 $0x4  }
0x108: {  	_ =	swait.ge @!p0 [sflag:s26], $0x1A00  }
0x109: {  	[sflag:s26] =	ssyncset.done @!p0 $0x0  }
0x10a: {  	[sflag:s26] =	ssyncadd.s32 @!p0 $0xFFFFE600;
	s26 =	rddreg [dreg:$0x8]  }
0x10b: {  	s28 =	rddreg [dreg:$0x11];
	s26 =	sshrl.u32 @!p0 s26, $0x3  }
0x10c: {  	[spmem:s26], [sflag:s28] =	dma.local @!p0 [hbm:s22], $0x1A00  }
0x10d: {  	s28 =	simm.s32 $0x2  }
0x10e: {  	_ =	swait.ge [sflag:s28], $0x1A00  }
0x10f: {  	s30 =	sld [smem:$0x7E8]  }
0x110: {  	[sflag:s28] =	ssyncset.done $0x0  }
0x111: {  	s26 =	sadd.s32 $0x100, s13;
	[sflag:s28] =	ssyncadd.s32 $0xFFFFE600;
	s28 =	sor.u32 $0x1C04, s29  }
0x112: {  	[hbm:s26@s20], [sflag:s28] =	dma.strided [spmem:s30@s21], $0x100, s19, $0x10   }
0x113: {  	s29 =	sld [smem:$0x7EA];
	_ =	sdelay $0x1  }
0x114: {  	s30 =	sadd.s32 $0x40100, s13  }
0x115: {  	[hbm:s30@s20], [sflag:s28] =	dma.strided [spmem:s29@s21], $0x100, s19, $0x10   }
0x116: {  	s29 =	sld [smem:$0x7EC];
	_ =	sdelay $0x1  }
0x117: {  	s30 =	sadd.s32 $0x80100, s13  }
0x118: {  	[hbm:s30@s20], [sflag:s28] =	dma.strided [spmem:s29@s21], $0x100, s19, $0x10   }
0x119: {  	s29 =	sld [smem:$0x7EE];
	_ =	sdelay $0x1  }
0x11a: {  	s30 =	sadd.s32 $0xC0100, s13  }
0x11b: {  	[hbm:s30@s20], [sflag:s28] =	dma.strided [spmem:s29@s21], $0x100, s19, $0x10   }
0x11c: {  	s29 =	sld [smem:$0x7F0];
	_ =	sdelay $0x1  }
0x11d: {  	s30 =	sadd.s32 $0x100100, s13  }
0x11e: {  	[hbm:s30@s20], [sflag:s28] =	dma.strided [spmem:s29@s21], $0x100, s19, $0x10   }
0x11f: {  	s29 =	sld [smem:$0x7F2];
	_ =	sdelay $0x1  }
0x120: {  	s30 =	sadd.s32 $0x140100, s13  }
0x121: {  	[hbm:s30@s20], [sflag:s28] =	dma.strided [spmem:s29@s21], $0x100, s19, $0x10   }
0x122: {  	p0 =	seq.s32 s23, $0x1E00;
	s29 =	sadd.s32 $0x180100, s13  }
0x123: {  	[hbm:s29@s20], [sflag:s28] =	dma.strided [spmem:s31@s21], $0x100, s19, $0x10   }
0x124: {  	s30 =	sadd.s32 $0x1C0100, s13;
	s29 =	sadd.s32 $0x200100, s13  }
0x125: {  	[hbm:s30@s20], [sflag:s28] =	dma.strided [spmem:s0@s21], $0x100, s19, $0x10   }
0x126: {  	[hbm:s29@s20], [sflag:s28] =	dma.strided [spmem:s1@s21], $0x100, s19, $0x10   }
0x127: {  	s30 =	sadd.s32 $0x240100, s13;
	s29 =	sadd.s32 $0x280100, s13  }
0x128: {  	[hbm:s30@s20], [sflag:s28] =	dma.strided [spmem:s2@s21], $0x100, s19, $0x10   }
0x129: {  	[hbm:s29@s20], [sflag:s28] =	dma.strided [spmem:s3@s21], $0x100, s19, $0x10   }
0x12a: {  	s30 =	sadd.s32 $0x2C0100, s13;
	s29 =	sadd.s32 $0x300100, s13  }
0x12b: {  	[hbm:s30@s20], [sflag:s28] =	dma.strided [spmem:s7@s21], $0x100, s19, $0x10   }
0x12c: {  	[hbm:s29@s20], [sflag:s28] =	dma.strided [spmem:s8@s21], $0x100, s19, $0x10   }
0x12d: {  	s30 =	sadd.s32 $0x340100, s13;
	s29 =	sadd.s32 $0x380100, s13  }
0x12e: {  	[hbm:s30@s20], [sflag:s28] =	dma.strided [spmem:s5@s21], $0x100, s19, $0x10   }
0x12f: {  	[hbm:s29@s20], [sflag:s28] =	dma.strided [spmem:s9@s21], $0x100, s19, $0x10   }
0x130: {  	s30 =	sadd.s32 $0x3C0100, s13;
	s29 =	sadd.s32 $0x400100, s13  }
0x131: {  	[hbm:s30@s20], [sflag:s28] =	dma.strided [spmem:s11@s21], $0x100, s19, $0x10   }
0x132: {  	[hbm:s29@s20], [sflag:s28] =	dma.strided [spmem:s17@s21], $0x100, s19, $0x10   }
0x133: {  	s30 =	sadd.s32 $0x440100, s13;
	s29 =	sadd.s32 $0x480100, s13  }
0x134: {  	[hbm:s30@s20], [sflag:s28] =	dma.strided [spmem:s12@s21], $0x100, s19, $0x10   }
0x135: {  	[hbm:s29@s20], [sflag:s28] =	dma.strided [spmem:s24@s21], $0x100, s19, $0x10   }
0x136: {  	s30 =	sadd.s32 $0x4C0100, s13;
	s29 =	sadd.s32 $0x500100, s13  }
0x137: {  	[hbm:s30@s20], [sflag:s28] =	dma.strided [spmem:s25@s21], $0x100, s19, $0x10   }
0x138: {  	[hbm:s29@s20], [sflag:s28] =	dma.strided [spmem:s4@s21], $0x100, s19, $0x10   }
0x139: {  	s30 =	sadd.s32 $0x540100, s13;
	s29 =	sadd.s32 $0x580100, s13  }
0x13a: {  	[hbm:s30@s20], [sflag:s28] =	dma.strided [spmem:s10@s21], $0x100, s19, $0x10   }
0x13b: {  	[hbm:s29@s20], [sflag:s28] =	dma.strided [spmem:s14@s21], $0x100, s19, $0x10   }
0x13c: {  	s30 =	sadd.s32 $0x5C0100, s13;
	s29 =	sadd.s32 $0x600100, s13  }
0x13d: {  	[hbm:s30@s20], [sflag:s28] =	dma.strided [spmem:s15@s21], $0x100, s19, $0x10   }
0x13e: {  	[hbm:s29@s20], [sflag:s28] =	dma.strided [spmem:s16@s21], $0x100, s19, $0x10   }
.Ltmp2:
0x13f: {  	s13 =	sadd.s32 $0x640100, s13;
	s30 =	simm.s32 $0x3;
	(pc) =	sbr.rel @p0 .LBB2_4-.Ltmp2, $4  }
0x140: {  	[hbm:s13@s20], [sflag:s28] =	dma.strided [spmem:s18@s21], $0x100, s19, $0x10   }
0x141: {  	_ =	swait.ge [sflag:s30], $0x1A00  }
0x142: {  	[sflag:s30] =	ssyncset.done $0x0  }
0x143: {  	[sflag:s30] =	ssyncadd.s32 $0xFFFFE600  }
.Ltmp3:
0x144: {  	(pc) =	sbr.rel .LBB2_2-.Ltmp3, $4  }
0x145: {  	s13 =	rddreg [dreg:$0xf]  }
0x146: {  	s26 =	rddreg [dreg:$0x10]  }
0x147: {  	[spmem:s26], [sflag:s13] =	dma.local [hbm:s6], $0x1A00  }
0x148: {  	s23 =	sadd.s32 $0x200, s23;
	s22 =	sadd.s32 $0x3400, s22;
	s6 =	sadd.s32 $0x3400, s6  }
.LBB2_5:
0x149: {  	_ =	sfence.sel $0x180000  }
0x14a: {  	[bflag:$0x0] =	sbarrier.arrive $0xFFFF  }
0x14b: {  	_ =	strace $0x90000047  }
0x14c: {  	s0 =	stileid.u32;
	[bflag:$0x2] =	sbarrier.arrive $0xFFFF  }
0x14d: {  	p0 =	sne.s32 s0, $0x0;
	s0 =	rddreg [dreg:$0x4]  }
0x14e: {  	s0 =	sadd.s32 @!p0 $0x100000, s0  }
0x14f: {  	[sflag:s0] =	ssyncadd.tile.s32 @!p0 $0x1;
	_ =	shalt  }
.Lfunc_end2:
_tile_overlayer_lowered:
.L_overlay_start_2:
0x150: {  	(tag) =	ssettag $0x2  }
0x151: {  	s0 =	rddreg [dreg:$0x0];
	s2 =	stileid.u32  }
0x152: {  	s1 =	rddreg [dreg:$0x1];
	p0 =	sne.s32 s2, $0x0  }
0x153: {  	s3 =	rddreg [dreg:$0x2];
	[bflag:$0x3] =	sbarrier.arrive $0xFFFF;
	s2 =	simm.s32 @!p0 $0x1C05  }
0x154: {  	[timem:s3], [sflag:s2] =	dma.local @!p0 [hbm:s0], s1  }
0x155: {  	s0 =	simm.s32 @!p0 $0x5  }
0x156: {  	_ =	swait.ge @!p0 [sflag:s0], s1  }
0x157: {  	s1 =	ssub.s32 @!p0 $0x0, s1;
	[sflag:s0] =	ssyncset.done @!p0 $0x0  }
0x158: {  	[sflag:s0] =	ssyncadd.s32 @!p0 s1  }
0x159: {  	[bflag:$0x3] =	sbarrier.arrive $0xFFFF  }
0x15a: {  	_ =	shalt  }

</sc_bundles>
